<compile_context>
chip_gen: v7x
topology: tpu7x:2x2x1
jax: 0.10.2.dev20260603
libtpu: 0.0.44.dev20260713+nightly
codegen_flags: <defaults>
</compile_context>

<pallas_src>
import functools

import jax
import jax.numpy as jnp
from jax import lax
from jax.experimental import pallas as pl
from jax.experimental.pallas import tpu as pltpu
from jax.experimental.pallas import tpu_sc as plsc

N = 100000
MAX_DEG_PLUS1 = 513
D_FEAT = 128
D_NODE = 128
D_ENC = 64
OUT_W = 1 + D_FEAT + D_NODE + D_ENC

NW = 32
N_SUB = 16
CHUNK = 400
A_ROWS = 5200
B_ROWS = 1200
PAIR_ROWS = A_ROWS + B_ROWS
B_PAD = N_SUB * PAIR_ROWS

R = 2048


def _sc_gather(degree_pad, table):
    mesh = plsc.VectorSubcoreMesh(core_axis_name="c", subcore_axis_name="s")

    @functools.partial(
        pl.kernel,
        mesh=mesh,
        out_type=jax.ShapeDtypeStruct((B_PAD, D_ENC), jnp.float32),
        scratch_types=[
            pltpu.VMEM((A_ROWS,), jnp.int32),
            pltpu.VMEM((CHUNK, D_ENC), jnp.float32),
            pltpu.VMEM((CHUNK, D_ENC), jnp.float32),
            pltpu.SemaphoreType.DMA,
            pltpu.SemaphoreType.DMA,
            pltpu.SemaphoreType.DMA,
            pltpu.SemaphoreType.DMA,
        ],
        compiler_params=pltpu.CompilerParams(use_tc_tiling_on_sc=False),
    )
    def k(deg_hbm, table_hbm, out_hbm, idx_v, rows_a, rows_b, ga, gb, wa, wb):
        c = lax.axis_index("c")
        s = lax.axis_index("s")
        base = s * PAIR_ROWS + c * A_ROWS
        bufs = (rows_a, rows_b)
        gsems = (ga, gb)
        wsems = (wa, wb)

        def run(nrows):
            nchunks = nrows // CHUNK
            pltpu.sync_copy(
                deg_hbm.at[pl.ds(base, nrows)], idx_v.at[pl.ds(0, nrows)]
            )

            def gather(ci, buf, sem):
                return pltpu.async_copy(
                    table_hbm.at[idx_v.at[pl.ds(ci * CHUNK, CHUNK)]], buf, sem
                )

            g = [gather(0, bufs[0], gsems[0]), None]
            w = [None, None]
            for ci in range(nchunks):
                b = ci % 2
                nb = 1 - b
                if ci + 1 < nchunks:
                    if w[nb] is not None:
                        w[nb].wait()
                        w[nb] = None
                    g[nb] = gather(ci + 1, bufs[nb], gsems[nb])
                g[b].wait()
                w[b] = pltpu.async_copy(
                    bufs[b], out_hbm.at[pl.ds(base + ci * CHUNK, CHUNK)], wsems[b]
                )
            for b in range(2):
                if w[b] is not None:
                    w[b].wait()

        @pl.when(c == 0)
        def _():
            run(A_ROWS)

        @pl.when(c == 1)
        def _():
            run(B_ROWS)

    return k(degree_pad, table)


def _assemble_t(feats, node_w, deg_pairs):
    def body(f_ref, n_ref, d_ref, o_ref):
        z = jnp.zeros((1, R), jnp.float32)
        f_t = jnp.transpose(f_ref[...], (1, 0))
        n_t = jnp.transpose(n_ref[...], (1, 0))
        d_t_full = jnp.transpose(d_ref[...], (1, 0))
        a = d_t_full[:D_ENC]
        b = d_t_full[D_ENC:]
        rowi = lax.broadcasted_iota(jnp.int32, (R // 2, R), 0)
        coli = lax.broadcasted_iota(jnp.int32, (R // 2, R), 1)
        pa = (coli == 2 * rowi).astype(jnp.float32)
        pb = (coli == 2 * rowi + 1).astype(jnp.float32)
        d_t = lax.dot(a, pa, preferred_element_type=jnp.float32) + lax.dot(
            b, pb, preferred_element_type=jnp.float32
        )
        o_ref[...] = jnp.concatenate([z, f_t, n_t, d_t], axis=0)

    return pl.pallas_call(
        body,
        grid=(pl.cdiv(N, R),),
        in_specs=[
            pl.BlockSpec((R, D_FEAT), lambda i: (i, 0)),
            pl.BlockSpec((R, D_NODE), lambda i: (i, 0)),
            pl.BlockSpec((R // 2, 128), lambda i: (i, 0)),
        ],
        out_specs=pl.BlockSpec((OUT_W, R), lambda i: (0, i)),
        out_shape=jax.ShapeDtypeStruct((OUT_W, N), jnp.float32),
    )(feats, node_w, deg_pairs)


def kernel(feats, degree, edge_batch, emb_node_w, emb_degree_w):
    del edge_batch
    deg_pad = jnp.concatenate(
        [degree.astype(jnp.int32), jnp.zeros((B_PAD - N,), jnp.int32)]
    )
    REP = 4
    table_rep = jnp.tile(emb_degree_w, (REP, 1))
    r = jnp.arange(B_PAD, dtype=jnp.int32)
    s = r // PAIR_ROWS
    cc = ((r % PAIR_ROWS) >= A_ROWS).astype(jnp.int32)
    offs = ((s * 2 + cc) % REP) * MAX_DEG_PLUS1
    deg_emb = _sc_gather(deg_pad + offs, table_rep)
    deg_pairs = jnp.reshape(deg_emb, (B_PAD // 2, 128))
    return jnp.transpose(_assemble_t(feats, emb_node_w, deg_pairs), (1, 0))

# --- scband reference (transcript-rebuilt; emitter-appended) ---
"""Pipeline reference for scband-predictor-40604620816399 (READ-ONLY COPY).

The authoritative reference and input builder live on the scoring server;
editing this copy changes nothing except your own understanding.
"""

import jax, jax.numpy as jnp
import numpy as np

N = 100000          # num_nodes
D_FEAT = 128        # graph.x feature dim
D_NODE = 128        # dim_node_emb
D_ENC = 64          # dim_encoding
MAX_DEG_PLUS1 = 513 # max_degree + 1
B_EDGE = 65536      # edge_batch size


def _xavier(key, shape):
    fan_in, fan_out = shape[1], shape[0]
    limit = np.sqrt(6.0 / (fan_in + fan_out))
    return jax.random.uniform(key, shape, dtype=jnp.float32, minval=-limit, maxval=limit)


def setup_inputs(seed: int = 0) -> dict:
    key = jax.random.key(seed)
    k1, k2, k3, k4, k5 = jax.random.split(key, 5)
    feats = jax.random.normal(k1, (N, D_FEAT), dtype=jnp.float32)
    degree = jax.random.randint(k2, (N,), 0, MAX_DEG_PLUS1, dtype=jnp.int32)
    edge_batch = jax.random.randint(k3, (B_EDGE, 2), 0, N, dtype=jnp.int32)
    # learned parameters: embedding tables (xavier init per init_params)
    emb_node_w = _xavier(k4, (N, D_NODE))
    emb_degree_w = _xavier(k5, (MAX_DEG_PLUS1, D_ENC))
    return {
        "feats": feats,
        "degree": degree,
        "edge_batch": edge_batch,
        "emb_node_w": emb_node_w,
        "emb_degree_w": emb_degree_w,
    }


def reference(feats, degree, edge_batch, emb_node_w, emb_degree_w):
    # Predictor.forward (feature-assembly stage, non-ppa dataset):
    #   x = zeros((num_nodes, 1))
    #   if use_feature: x = cat([x, feats], 1)
    #   if use_node_emb: x = cat([x, emb_node(arange(num_nodes))], 1)
    #   if use_degree:   x = cat([x, emb_degree(degree)], 1)
    edge_batch = edge_batch.astype(jnp.int32)  # .to(dtype=int64) analogue
    x = jnp.zeros((N, 1), dtype=jnp.float32)
    x = jnp.concatenate([x, feats], axis=1)
    node_ids = jnp.arange(N, dtype=jnp.int32)
    node_emb = jnp.take(emb_node_w, node_ids, axis=0)   # embedding lookup
    x = jnp.concatenate([x, node_emb], axis=1)
    deg_emb = jnp.take(emb_degree_w, degree, axis=0)    # embedding lookup
    x = jnp.concatenate([x, deg_emb], axis=1)
    return x

if __name__ == "__main__":
    import jax
    _d = setup_inputs()
    print(jax.jit(kernel)(*tuple(_d.values())))

</pallas_src>

<mosaic_0001>
#map = affine_map<(d0, d1) -> (0)>
#map1 = affine_map<(d0, d1) -> (0, 0)>
module attributes {stable_mosaic.version = 14 : i64} {
  func.func @k(%arg0: i32, %arg1: i32, %arg2: memref<102400xi32, #tpu.memory_space<hbm>>, %arg3: memref<2052x64xf32, #tpu.memory_space<hbm>>, %arg4: memref<102400x64xf32, #tpu.memory_space<hbm>>, %arg5: memref<5200xi32, #tpu.memory_space<vmem>>, %arg6: memref<400x64xf32, #tpu.memory_space<vmem>>, %arg7: memref<400x64xf32, #tpu.memory_space<vmem>>, %arg8: memref<!tpu.dma_semaphore, #tpu.memory_space<semaphore_mem>>, %arg9: memref<!tpu.dma_semaphore, #tpu.memory_space<semaphore_mem>>, %arg10: memref<!tpu.dma_semaphore, #tpu.memory_space<semaphore_mem>>, %arg11: memref<!tpu.dma_semaphore, #tpu.memory_space<semaphore_mem>>) attributes {dimension_semantics = [#tpu.dimension_semantics<core_parallel>, #tpu.dimension_semantics<subcore_parallel>], iteration_bounds = array<i64: 2, 16>, scalar_prefetch = 0 : i64, scratch_operands = 7 : i64, tpu.core_type = #tpu.core_type<sc_vector_subcore>, window_params = [{transform_indices = #map}, {transform_indices = #map1}, {transform_indices = #map1}]} {
    %mul3A = arith.constant 6400 : i32
    %mul3A_0 = arith.muli %arg1, %mul3A : i32
    %mul3A_1 = arith.constant 5200 : i32
    %mul3A_2 = arith.muli %arg0, %mul3A_1 : i32
    %add3A = arith.addi %mul3A_0, %mul3A_2 : i32
    %eq3A = arith.constant 0 : i32
    %eq3A_3 = arith.cmpi eq, %arg0, %eq3A : i32
    %convert_element_type3A = arith.extui %eq3A_3 : i1 to i32
    %cond3A = arith.constant 0 : i32
    %cond3A_4 = arith.cmpi ne, %convert_element_type3A, %cond3A : i32
    scf.if %cond3A_4 {
      "tpu.region"() ({
        %run_scoped3A = tpu.sem_alloc : memref<!tpu.dma_semaphore, #tpu.memory_space<semaphore_mem>>
        %dma_start3A_268 = arith.constant 0 : i32
        %dma_start3A_269 = tpu.memref_slice %arg5[%dma_start3A_268] : memref<5200xi32, #tpu.memory_space<vmem>> -> memref<5200xi32, #tpu.memory_space<vmem>>
        %dma_start3A_270 = tpu.memref_slice %arg2[%add3A] : memref<102400xi32, #tpu.memory_space<hbm>> -> memref<5200xi32, #tpu.memory_space<hbm>>
        %dma_start3A_271 = arith.constant 0 : i32
        %dma_start3A_272 = tpu.memref_slice %arg5[%dma_start3A_271] : memref<5200xi32, #tpu.memory_space<vmem>> -> memref<5200xi32, #tpu.memory_space<vmem>>
        %dma_start3A_273 = tpu.memref_slice %arg2[%add3A] : memref<102400xi32, #tpu.memory_space<hbm>> -> memref<5200xi32, #tpu.memory_space<hbm>>
        tpu.enqueue_dma source(%dma_start3A_273 : memref<5200xi32, #tpu.memory_space<hbm>>) target(%dma_start3A_272 : memref<5200xi32, #tpu.memory_space<vmem>>) target_semaphore(%run_scoped3A : memref<!tpu.dma_semaphore, #tpu.memory_space<semaphore_mem>>)
        %dma_wait3A_274 = arith.constant 0 : i32
        %dma_wait3A_275 = tpu.memref_slice %arg5[%dma_wait3A_274] : memref<5200xi32, #tpu.memory_space<vmem>> -> memref<5200xi32, #tpu.memory_space<vmem>>
        %dma_wait3A_276 = tpu.memref_slice %arg2[%add3A] : memref<102400xi32, #tpu.memory_space<hbm>> -> memref<5200xi32, #tpu.memory_space<hbm>>
        %dma_wait3A_277 = arith.constant 0 : i32
        %dma_wait3A_278 = tpu.memref_slice %arg5[%dma_wait3A_277] : memref<5200xi32, #tpu.memory_space<vmem>> -> memref<5200xi32, #tpu.memory_space<vmem>>
        %dma_wait3A_279 = tpu.memref_slice %arg2[%add3A] : memref<102400xi32, #tpu.memory_space<hbm>> -> memref<5200xi32, #tpu.memory_space<hbm>>
        tpu.wait_dma2 semaphore(%run_scoped3A : memref<!tpu.dma_semaphore, #tpu.memory_space<semaphore_mem>>) src(%dma_wait3A_279 : memref<5200xi32, #tpu.memory_space<hbm>>) dst(%dma_wait3A_278 : memref<5200xi32, #tpu.memory_space<vmem>>)
        tpu.yield
      }) : () -> ()
      %dma_start3A = arith.constant 0 : i32
      %dma_start3A_10 = tpu.memref_slice %arg5[%dma_start3A] : memref<5200xi32, #tpu.memory_space<vmem>> -> memref<400xi32, #tpu.memory_space<vmem>>
      %dma_start3A_11 = arith.constant 0 : i32
      %dma_start3A_12 = arith.constant 0 : i32
      %dma_start3A_13 = tpu.memref_slice %arg3[%dma_start3A_11, %dma_start3A_12] : memref<2052x64xf32, #tpu.memory_space<hbm>> -> memref<2052x64xf32, #tpu.memory_space<hbm>>
      tpu.enqueue_indirect_dma source(%dma_start3A_13 : memref<2052x64xf32, #tpu.memory_space<hbm>>) target(%arg6 : memref<400x64xf32, #tpu.memory_space<vmem>>) offsets(%dma_start3A_10 : memref<400xi32, #tpu.memory_space<vmem>>) semaphore(%arg8 : memref<!tpu.dma_semaphore, #tpu.memory_space<semaphore_mem>>)
      %dma_start3A_14 = arith.constant 400 : i32
      %dma_start3A_15 = tpu.memref_slice %arg5[%dma_start3A_14] : memref<5200xi32, #tpu.memory_space<vmem>> -> memref<400xi32, #tpu.memory_space<vmem>>
      %dma_start3A_16 = arith.constant 0 : i32
      %dma_start3A_17 = arith.constant 0 : i32
      %dma_start3A_18 = tpu.memref_slice %arg3[%dma_start3A_16, %dma_start3A_17] : memref<2052x64xf32, #tpu.memory_space<hbm>> -> memref<2052x64xf32, #tpu.memory_space<hbm>>
      tpu.enqueue_indirect_dma source(%dma_start3A_18 : memref<2052x64xf32, #tpu.memory_space<hbm>>) target(%arg7 : memref<400x64xf32, #tpu.memory_space<vmem>>) offsets(%dma_start3A_15 : memref<400xi32, #tpu.memory_space<vmem>>) semaphore(%arg9 : memref<!tpu.dma_semaphore, #tpu.memory_space<semaphore_mem>>)
      %dma_wait3A = arith.constant 0 : i32
      %dma_wait3A_19 = tpu.memref_slice %arg5[%dma_wait3A] : memref<5200xi32, #tpu.memory_space<vmem>> -> memref<400xi32, #tpu.memory_space<vmem>>
      %dma_wait3A_20 = arith.constant 0 : i32
      %dma_wait3A_21 = arith.constant 0 : i32
      %dma_wait3A_22 = tpu.memref_slice %arg3[%dma_wait3A_20, %dma_wait3A_21] : memref<2052x64xf32, #tpu.memory_space<hbm>> -> memref<2052x64xf32, #tpu.memory_space<hbm>>
      tpu.wait_indirect_dma semaphore(%arg8 : memref<!tpu.dma_semaphore, #tpu.memory_space<semaphore_mem>>) src(%dma_wait3A_22 : memref<2052x64xf32, #tpu.memory_space<hbm>>) dst(%arg6 : memref<400x64xf32, #tpu.memory_space<vmem>>)
      %add3A_23 = arith.constant 0 : i32
      %add3A_24 = arith.addi %add3A, %add3A_23 : i32
      %dma_start3A_25 = arith.constant 0 : i32
      %dma_start3A_26 = tpu.memref_slice %arg4[%add3A_24, %dma_start3A_25] : memref<102400x64xf32, #tpu.memory_space<hbm>> -> memref<400x64xf32, #tpu.memory_space<hbm>>
      %dma_start3A_27 = arith.constant 0 : i32
      %dma_start3A_28 = tpu.memref_slice %arg4[%add3A_24, %dma_start3A_27] : memref<102400x64xf32, #tpu.memory_space<hbm>> -> memref<400x64xf32, #tpu.memory_space<hbm>>
      tpu.enqueue_dma source(%arg6 : memref<400x64xf32, #tpu.memory_space<vmem>>) target(%dma_start3A_28 : memref<400x64xf32, #tpu.memory_space<hbm>>) target_semaphore(%arg10 : memref<!tpu.dma_semaphore, #tpu.memory_space<semaphore_mem>>)
      %dma_wait3A_29 = arith.constant 0 : i32
      %dma_wait3A_30 = tpu.memref_slice %arg4[%add3A_24, %dma_wait3A_29] : memref<102400x64xf32, #tpu.memory_space<hbm>> -> memref<400x64xf32, #tpu.memory_space<hbm>>
      %dma_wait3A_31 = arith.constant 0 : i32
      %dma_wait3A_32 = tpu.memref_slice %arg4[%add3A_24, %dma_wait3A_31] : memref<102400x64xf32, #tpu.memory_space<hbm>> -> memref<400x64xf32, #tpu.memory_space<hbm>>
      tpu.wait_dma2 semaphore(%arg10 : memref<!tpu.dma_semaphore, #tpu.memory_space<semaphore_mem>>) src(%arg6 : memref<400x64xf32, #tpu.memory_space<vmem>>) dst(%dma_wait3A_32 : memref<400x64xf32, #tpu.memory_space<hbm>>)
      %dma_start3A_33 = arith.constant 800 : i32
      %dma_start3A_34 = tpu.memref_slice %arg5[%dma_start3A_33] : memref<5200xi32, #tpu.memory_space<vmem>> -> memref<400xi32, #tpu.memory_space<vmem>>
      %dma_start3A_35 = arith.constant 0 : i32
      %dma_start3A_36 = arith.constant 0 : i32
      %dma_start3A_37 = tpu.memref_slice %arg3[%dma_start3A_35, %dma_start3A_36] : memref<2052x64xf32, #tpu.memory_space<hbm>> -> memref<2052x64xf32, #tpu.memory_space<hbm>>
      tpu.enqueue_indirect_dma source(%dma_start3A_37 : memref<2052x64xf32, #tpu.memory_space<hbm>>) target(%arg6 : memref<400x64xf32, #tpu.memory_space<vmem>>) offsets(%dma_start3A_34 : memref<400xi32, #tpu.memory_space<vmem>>) semaphore(%arg8 : memref<!tpu.dma_semaphore, #tpu.memory_space<semaphore_mem>>)
      %dma_wait3A_38 = arith.constant 400 : i32
      %dma_wait3A_39 = tpu.memref_slice %arg5[%dma_wait3A_38] : memref<5200xi32, #tpu.memory_space<vmem>> -> memref<400xi32, #tpu.memory_space<vmem>>
      %dma_wait3A_40 = arith.constant 0 : i32
      %dma_wait3A_41 = arith.constant 0 : i32
      %dma_wait3A_42 = tpu.memref_slice %arg3[%dma_wait3A_40, %dma_wait3A_41] : memref<2052x64xf32, #tpu.memory_space<hbm>> -> memref<2052x64xf32, #tpu.memory_space<hbm>>
      tpu.wait_indirect_dma semaphore(%arg9 : memref<!tpu.dma_semaphore, #tpu.memory_space<semaphore_mem>>) src(%dma_wait3A_42 : memref<2052x64xf32, #tpu.memory_space<hbm>>) dst(%arg7 : memref<400x64xf32, #tpu.memory_space<vmem>>)
      %add3A_43 = arith.constant 400 : i32
      %add3A_44 = arith.addi %add3A, %add3A_43 : i32
      %dma_start3A_45 = arith.constant 0 : i32
      %dma_start3A_46 = tpu.memref_slice %arg4[%add3A_44, %dma_start3A_45] : memref<102400x64xf32, #tpu.memory_space<hbm>> -> memref<400x64xf32, #tpu.memory_space<hbm>>
      %dma_start3A_47 = arith.constant 0 : i32
      %dma_start3A_48 = tpu.memref_slice %arg4[%add3A_44, %dma_start3A_47] : memref<102400x64xf32, #tpu.memory_space<hbm>> -> memref<400x64xf32, #tpu.memory_space<hbm>>
      tpu.enqueue_dma source(%arg7 : memref<400x64xf32, #tpu.memory_space<vmem>>) target(%dma_start3A_48 : memref<400x64xf32, #tpu.memory_space<hbm>>) target_semaphore(%arg11 : memref<!tpu.dma_semaphore, #tpu.memory_space<semaphore_mem>>)
      %dma_wait3A_49 = arith.constant 0 : i32
      %dma_wait3A_50 = tpu.memref_slice %arg4[%add3A_44, %dma_wait3A_49] : memref<102400x64xf32, #tpu.memory_space<hbm>> -> memref<400x64xf32, #tpu.memory_space<hbm>>
      %dma_wait3A_51 = arith.constant 0 : i32
      %dma_wait3A_52 = tpu.memref_slice %arg4[%add3A_44, %dma_wait3A_51] : memref<102400x64xf32, #tpu.memory_space<hbm>> -> memref<400x64xf32, #tpu.memory_space<hbm>>
      tpu.wait_dma2 semaphore(%arg11 : memref<!tpu.dma_semaphore, #tpu.memory_space<semaphore_mem>>) src(%arg7 : memref<400x64xf32, #tpu.memory_space<vmem>>) dst(%dma_wait3A_52 : memref<400x64xf32, #tpu.memory_space<hbm>>)
      %dma_start3A_53 = arith.constant 1200 : i32
      %dma_start3A_54 = tpu.memref_slice %arg5[%dma_start3A_53] : memref<5200xi32, #tpu.memory_space<vmem>> -> memref<400xi32, #tpu.memory_space<vmem>>
      %dma_start3A_55 = arith.constant 0 : i32
      %dma_start3A_56 = arith.constant 0 : i32
      %dma_start3A_57 = tpu.memref_slice %arg3[%dma_start3A_55, %dma_start3A_56] : memref<2052x64xf32, #tpu.memory_space<hbm>> -> memref<2052x64xf32, #tpu.memory_space<hbm>>
      tpu.enqueue_indirect_dma source(%dma_start3A_57 : memref<2052x64xf32, #tpu.memory_space<hbm>>) target(%arg7 : memref<400x64xf32, #tpu.memory_space<vmem>>) offsets(%dma_start3A_54 : memref<400xi32, #tpu.memory_space<vmem>>) semaphore(%arg9 : memref<!tpu.dma_semaphore, #tpu.memory_space<semaphore_mem>>)
      %dma_wait3A_58 = arith.constant 800 : i32
      %dma_wait3A_59 = tpu.memref_slice %arg5[%dma_wait3A_58] : memref<5200xi32, #tpu.memory_space<vmem>> -> memref<400xi32, #tpu.memory_space<vmem>>
      %dma_wait3A_60 = arith.constant 0 : i32
      %dma_wait3A_61 = arith.constant 0 : i32
      %dma_wait3A_62 = tpu.memref_slice %arg3[%dma_wait3A_60, %dma_wait3A_61] : memref<2052x64xf32, #tpu.memory_space<hbm>> -> memref<2052x64xf32, #tpu.memory_space<hbm>>
      tpu.wait_indirect_dma semaphore(%arg8 : memref<!tpu.dma_semaphore, #tpu.memory_space<semaphore_mem>>) src(%dma_wait3A_62 : memref<2052x64xf32, #tpu.memory_space<hbm>>) dst(%arg6 : memref<400x64xf32, #tpu.memory_space<vmem>>)
      %add3A_63 = arith.constant 800 : i32
      %add3A_64 = arith.addi %add3A, %add3A_63 : i32
      %dma_start3A_65 = arith.constant 0 : i32
      %dma_start3A_66 = tpu.memref_slice %arg4[%add3A_64, %dma_start3A_65] : memref<102400x64xf32, #tpu.memory_space<hbm>> -> memref<400x64xf32, #tpu.memory_space<hbm>>
      %dma_start3A_67 = arith.constant 0 : i32
      %dma_start3A_68 = tpu.memref_slice %arg4[%add3A_64, %dma_start3A_67] : memref<102400x64xf32, #tpu.memory_space<hbm>> -> memref<400x64xf32, #tpu.memory_space<hbm>>
      tpu.enqueue_dma source(%arg6 : memref<400x64xf32, #tpu.memory_space<vmem>>) target(%dma_start3A_68 : memref<400x64xf32, #tpu.memory_space<hbm>>) target_semaphore(%arg10 : memref<!tpu.dma_semaphore, #tpu.memory_space<semaphore_mem>>)
      %dma_wait3A_69 = arith.constant 0 : i32
      %dma_wait3A_70 = tpu.memref_slice %arg4[%add3A_64, %dma_wait3A_69] : memref<102400x64xf32, #tpu.memory_space<hbm>> -> memref<400x64xf32, #tpu.memory_space<hbm>>
      %dma_wait3A_71 = arith.constant 0 : i32
      %dma_wait3A_72 = tpu.memref_slice %arg4[%add3A_64, %dma_wait3A_71] : memref<102400x64xf32, #tpu.memory_space<hbm>> -> memref<400x64xf32, #tpu.memory_space<hbm>>
      tpu.wait_dma2 semaphore(%arg10 : memref<!tpu.dma_semaphore, #tpu.memory_space<semaphore_mem>>) src(%arg6 : memref<400x64xf32, #tpu.memory_space<vmem>>) dst(%dma_wait3A_72 : memref<400x64xf32, #tpu.memory_space<hbm>>)
      %dma_start3A_73 = arith.constant 1600 : i32
      %dma_start3A_74 = tpu.memref_slice %arg5[%dma_start3A_73] : memref<5200xi32, #tpu.memory_space<vmem>> -> memref<400xi32, #tpu.memory_space<vmem>>
      %dma_start3A_75 = arith.constant 0 : i32
      %dma_start3A_76 = arith.constant 0 : i32
      %dma_start3A_77 = tpu.memref_slice %arg3[%dma_start3A_75, %dma_start3A_76] : memref<2052x64xf32, #tpu.memory_space<hbm>> -> memref<2052x64xf32, #tpu.memory_space<hbm>>
      tpu.enqueue_indirect_dma source(%dma_start3A_77 : memref<2052x64xf32, #tpu.memory_space<hbm>>) target(%arg6 : memref<400x64xf32, #tpu.memory_space<vmem>>) offsets(%dma_start3A_74 : memref<400xi32, #tpu.memory_space<vmem>>) semaphore(%arg8 : memref<!tpu.dma_semaphore, #tpu.memory_space<semaphore_mem>>)
      %dma_wait3A_78 = arith.constant 1200 : i32
      %dma_wait3A_79 = tpu.memref_slice %arg5[%dma_wait3A_78] : memref<5200xi32, #tpu.memory_space<vmem>> -> memref<400xi32, #tpu.memory_space<vmem>>
      %dma_wait3A_80 = arith.constant 0 : i32
      %dma_wait3A_81 = arith.constant 0 : i32
      %dma_wait3A_82 = tpu.memref_slice %arg3[%dma_wait3A_80, %dma_wait3A_81] : memref<2052x64xf32, #tpu.memory_space<hbm>> -> memref<2052x64xf32, #tpu.memory_space<hbm>>
      tpu.wait_indirect_dma semaphore(%arg9 : memref<!tpu.dma_semaphore, #tpu.memory_space<semaphore_mem>>) src(%dma_wait3A_82 : memref<2052x64xf32, #tpu.memory_space<hbm>>) dst(%arg7 : memref<400x64xf32, #tpu.memory_space<vmem>>)
      %add3A_83 = arith.constant 1200 : i32
      %add3A_84 = arith.addi %add3A, %add3A_83 : i32
      %dma_start3A_85 = arith.constant 0 : i32
      %dma_start3A_86 = tpu.memref_slice %arg4[%add3A_84, %dma_start3A_85] : memref<102400x64xf32, #tpu.memory_space<hbm>> -> memref<400x64xf32, #tpu.memory_space<hbm>>
      %dma_start3A_87 = arith.constant 0 : i32
      %dma_start3A_88 = tpu.memref_slice %arg4[%add3A_84, %dma_start3A_87] : memref<102400x64xf32, #tpu.memory_space<hbm>> -> memref<400x64xf32, #tpu.memory_space<hbm>>
      tpu.enqueue_dma source(%arg7 : memref<400x64xf32, #tpu.memory_space<vmem>>) target(%dma_start3A_88 : memref<400x64xf32, #tpu.memory_space<hbm>>) target_semaphore(%arg11 : memref<!tpu.dma_semaphore, #tpu.memory_space<semaphore_mem>>)
      %dma_wait3A_89 = arith.constant 0 : i32
      %dma_wait3A_90 = tpu.memref_slice %arg4[%add3A_84, %dma_wait3A_89] : memref<102400x64xf32, #tpu.memory_space<hbm>> -> memref<400x64xf32, #tpu.memory_space<hbm>>
      %dma_wait3A_91 = arith.constant 0 : i32
      %dma_wait3A_92 = tpu.memref_slice %arg4[%add3A_84, %dma_wait3A_91] : memref<102400x64xf32, #tpu.memory_space<hbm>> -> memref<400x64xf32, #tpu.memory_space<hbm>>
      tpu.wait_dma2 semaphore(%arg11 : memref<!tpu.dma_semaphore, #tpu.memory_space<semaphore_mem>>) src(%arg7 : memref<400x64xf32, #tpu.memory_space<vmem>>) dst(%dma_wait3A_92 : memref<400x64xf32, #tpu.memory_space<hbm>>)
      %dma_start3A_93 = arith.constant 2000 : i32
      %dma_start3A_94 = tpu.memref_slice %arg5[%dma_start3A_93] : memref<5200xi32, #tpu.memory_space<vmem>> -> memref<400xi32, #tpu.memory_space<vmem>>
      %dma_start3A_95 = arith.constant 0 : i32
      %dma_start3A_96 = arith.constant 0 : i32
      %dma_start3A_97 = tpu.memref_slice %arg3[%dma_start3A_95, %dma_start3A_96] : memref<2052x64xf32, #tpu.memory_space<hbm>> -> memref<2052x64xf32, #tpu.memory_space<hbm>>
      tpu.enqueue_indirect_dma source(%dma_start3A_97 : memref<2052x64xf32, #tpu.memory_space<hbm>>) target(%arg7 : memref<400x64xf32, #tpu.memory_space<vmem>>) offsets(%dma_start3A_94 : memref<400xi32, #tpu.memory_space<vmem>>) semaphore(%arg9 : memref<!tpu.dma_semaphore, #tpu.memory_space<semaphore_mem>>)
      %dma_wait3A_98 = arith.constant 1600 : i32
      %dma_wait3A_99 = tpu.memref_slice %arg5[%dma_wait3A_98] : memref<5200xi32, #tpu.memory_space<vmem>> -> memref<400xi32, #tpu.memory_space<vmem>>
      %dma_wait3A_100 = arith.constant 0 : i32
      %dma_wait3A_101 = arith.constant 0 : i32
      %dma_wait3A_102 = tpu.memref_slice %arg3[%dma_wait3A_100, %dma_wait3A_101] : memref<2052x64xf32, #tpu.memory_space<hbm>> -> memref<2052x64xf32, #tpu.memory_space<hbm>>
      tpu.wait_indirect_dma semaphore(%arg8 : memref<!tpu.dma_semaphore, #tpu.memory_space<semaphore_mem>>) src(%dma_wait3A_102 : memref<2052x64xf32, #tpu.memory_space<hbm>>) dst(%arg6 : memref<400x64xf32, #tpu.memory_space<vmem>>)
      %add3A_103 = arith.constant 1600 : i32
      %add3A_104 = arith.addi %add3A, %add3A_103 : i32
      %dma_start3A_105 = arith.constant 0 : i32
      %dma_start3A_106 = tpu.memref_slice %arg4[%add3A_104, %dma_start3A_105] : memref<102400x64xf32, #tpu.memory_space<hbm>> -> memref<400x64xf32, #tpu.memory_space<hbm>>
      %dma_start3A_107 = arith.constant 0 : i32
      %dma_start3A_108 = tpu.memref_slice %arg4[%add3A_104, %dma_start3A_107] : memref<102400x64xf32, #tpu.memory_space<hbm>> -> memref<400x64xf32, #tpu.memory_space<hbm>>
      tpu.enqueue_dma source(%arg6 : memref<400x64xf32, #tpu.memory_space<vmem>>) target(%dma_start3A_108 : memref<400x64xf32, #tpu.memory_space<hbm>>) target_semaphore(%arg10 : memref<!tpu.dma_semaphore, #tpu.memory_space<semaphore_mem>>)
      %dma_wait3A_109 = arith.constant 0 : i32
      %dma_wait3A_110 = tpu.memref_slice %arg4[%add3A_104, %dma_wait3A_109] : memref<102400x64xf32, #tpu.memory_space<hbm>> -> memref<400x64xf32, #tpu.memory_space<hbm>>
      %dma_wait3A_111 = arith.constant 0 : i32
      %dma_wait3A_112 = tpu.memref_slice %arg4[%add3A_104, %dma_wait3A_111] : memref<102400x64xf32, #tpu.memory_space<hbm>> -> memref<400x64xf32, #tpu.memory_space<hbm>>
      tpu.wait_dma2 semaphore(%arg10 : memref<!tpu.dma_semaphore, #tpu.memory_space<semaphore_mem>>) src(%arg6 : memref<400x64xf32, #tpu.memory_space<vmem>>) dst(%dma_wait3A_112 : memref<400x64xf32, #tpu.memory_space<hbm>>)
      %dma_start3A_113 = arith.constant 2400 : i32
      %dma_start3A_114 = tpu.memref_slice %arg5[%dma_start3A_113] : memref<5200xi32, #tpu.memory_space<vmem>> -> memref<400xi32, #tpu.memory_space<vmem>>
      %dma_start3A_115 = arith.constant 0 : i32
      %dma_start3A_116 = arith.constant 0 : i32
      %dma_start3A_117 = tpu.memref_slice %arg3[%dma_start3A_115, %dma_start3A_116] : memref<2052x64xf32, #tpu.memory_space<hbm>> -> memref<2052x64xf32, #tpu.memory_space<hbm>>
      tpu.enqueue_indirect_dma source(%dma_start3A_117 : memref<2052x64xf32, #tpu.memory_space<hbm>>) target(%arg6 : memref<400x64xf32, #tpu.memory_space<vmem>>) offsets(%dma_start3A_114 : memref<400xi32, #tpu.memory_space<vmem>>) semaphore(%arg8 : memref<!tpu.dma_semaphore, #tpu.memory_space<semaphore_mem>>)
      %dma_wait3A_118 = arith.constant 2000 : i32
      %dma_wait3A_119 = tpu.memref_slice %arg5[%dma_wait3A_118] : memref<5200xi32, #tpu.memory_space<vmem>> -> memref<400xi32, #tpu.memory_space<vmem>>
      %dma_wait3A_120 = arith.constant 0 : i32
      %dma_wait3A_121 = arith.constant 0 : i32
      %dma_wait3A_122 = tpu.memref_slice %arg3[%dma_wait3A_120, %dma_wait3A_121] : memref<2052x64xf32, #tpu.memory_space<hbm>> -> memref<2052x64xf32, #tpu.memory_space<hbm>>
      tpu.wait_indirect_dma semaphore(%arg9 : memref<!tpu.dma_semaphore, #tpu.memory_space<semaphore_mem>>) src(%dma_wait3A_122 : memref<2052x64xf32, #tpu.memory_space<hbm>>) dst(%arg7 : memref<400x64xf32, #tpu.memory_space<vmem>>)
      %add3A_123 = arith.constant 2000 : i32
      %add3A_124 = arith.addi %add3A, %add3A_123 : i32
      %dma_start3A_125 = arith.constant 0 : i32
      %dma_start3A_126 = tpu.memref_slice %arg4[%add3A_124, %dma_start3A_125] : memref<102400x64xf32, #tpu.memory_space<hbm>> -> memref<400x64xf32, #tpu.memory_space<hbm>>
      %dma_start3A_127 = arith.constant 0 : i32
      %dma_start3A_128 = tpu.memref_slice %arg4[%add3A_124, %dma_start3A_127] : memref<102400x64xf32, #tpu.memory_space<hbm>> -> memref<400x64xf32, #tpu.memory_space<hbm>>
      tpu.enqueue_dma source(%arg7 : memref<400x64xf32, #tpu.memory_space<vmem>>) target(%dma_start3A_128 : memref<400x64xf32, #tpu.memory_space<hbm>>) target_semaphore(%arg11 : memref<!tpu.dma_semaphore, #tpu.memory_space<semaphore_mem>>)
      %dma_wait3A_129 = arith.constant 0 : i32
      %dma_wait3A_130 = tpu.memref_slice %arg4[%add3A_124, %dma_wait3A_129] : memref<102400x64xf32, #tpu.memory_space<hbm>> -> memref<400x64xf32, #tpu.memory_space<hbm>>
      %dma_wait3A_131 = arith.constant 0 : i32
      %dma_wait3A_132 = tpu.memref_slice %arg4[%add3A_124, %dma_wait3A_131] : memref<102400x64xf32, #tpu.memory_space<hbm>> -> memref<400x64xf32, #tpu.memory_space<hbm>>
      tpu.wait_dma2 semaphore(%arg11 : memref<!tpu.dma_semaphore, #tpu.memory_space<semaphore_mem>>) src(%arg7 : memref<400x64xf32, #tpu.memory_space<vmem>>) dst(%dma_wait3A_132 : memref<400x64xf32, #tpu.memory_space<hbm>>)
      %dma_start3A_133 = arith.constant 2800 : i32
      %dma_start3A_134 = tpu.memref_slice %arg5[%dma_start3A_133] : memref<5200xi32, #tpu.memory_space<vmem>> -> memref<400xi32, #tpu.memory_space<vmem>>
      %dma_start3A_135 = arith.constant 0 : i32
      %dma_start3A_136 = arith.constant 0 : i32
      %dma_start3A_137 = tpu.memref_slice %arg3[%dma_start3A_135, %dma_start3A_136] : memref<2052x64xf32, #tpu.memory_space<hbm>> -> memref<2052x64xf32, #tpu.memory_space<hbm>>
      tpu.enqueue_indirect_dma source(%dma_start3A_137 : memref<2052x64xf32, #tpu.memory_space<hbm>>) target(%arg7 : memref<400x64xf32, #tpu.memory_space<vmem>>) offsets(%dma_start3A_134 : memref<400xi32, #tpu.memory_space<vmem>>) semaphore(%arg9 : memref<!tpu.dma_semaphore, #tpu.memory_space<semaphore_mem>>)
      %dma_wait3A_138 = arith.constant 2400 : i32
      %dma_wait3A_139 = tpu.memref_slice %arg5[%dma_wait3A_138] : memref<5200xi32, #tpu.memory_space<vmem>> -> memref<400xi32, #tpu.memory_space<vmem>>
      %dma_wait3A_140 = arith.constant 0 : i32
      %dma_wait3A_141 = arith.constant 0 : i32
      %dma_wait3A_142 = tpu.memref_slice %arg3[%dma_wait3A_140, %dma_wait3A_141] : memref<2052x64xf32, #tpu.memory_space<hbm>> -> memref<2052x64xf32, #tpu.memory_space<hbm>>
      tpu.wait_indirect_dma semaphore(%arg8 : memref<!tpu.dma_semaphore, #tpu.memory_space<semaphore_mem>>) src(%dma_wait3A_142 : memref<2052x64xf32, #tpu.memory_space<hbm>>) dst(%arg6 : memref<400x64xf32, #tpu.memory_space<vmem>>)
      %add3A_143 = arith.constant 2400 : i32
      %add3A_144 = arith.addi %add3A, %add3A_143 : i32
      %dma_start3A_145 = arith.constant 0 : i32
      %dma_start3A_146 = tpu.memref_slice %arg4[%add3A_144, %dma_start3A_145] : memref<102400x64xf32, #tpu.memory_space<hbm>> -> memref<400x64xf32, #tpu.memory_space<hbm>>
      %dma_start3A_147 = arith.constant 0 : i32
      %dma_start3A_148 = tpu.memref_slice %arg4[%add3A_144, %dma_start3A_147] : memref<102400x64xf32, #tpu.memory_space<hbm>> -> memref<400x64xf32, #tpu.memory_space<hbm>>
      tpu.enqueue_dma source(%arg6 : memref<400x64xf32, #tpu.memory_space<vmem>>) target(%dma_start3A_148 : memref<400x64xf32, #tpu.memory_space<hbm>>) target_semaphore(%arg10 : memref<!tpu.dma_semaphore, #tpu.memory_space<semaphore_mem>>)
      %dma_wait3A_149 = arith.constant 0 : i32
      %dma_wait3A_150 = tpu.memref_slice %arg4[%add3A_144, %dma_wait3A_149] : memref<102400x64xf32, #tpu.memory_space<hbm>> -> memref<400x64xf32, #tpu.memory_space<hbm>>
      %dma_wait3A_151 = arith.constant 0 : i32
      %dma_wait3A_152 = tpu.memref_slice %arg4[%add3A_144, %dma_wait3A_151] : memref<102400x64xf32, #tpu.memory_space<hbm>> -> memref<400x64xf32, #tpu.memory_space<hbm>>
      tpu.wait_dma2 semaphore(%arg10 : memref<!tpu.dma_semaphore, #tpu.memory_space<semaphore_mem>>) src(%arg6 : memref<400x64xf32, #tpu.memory_space<vmem>>) dst(%dma_wait3A_152 : memref<400x64xf32, #tpu.memory_space<hbm>>)
      %dma_start3A_153 = arith.constant 3200 : i32
      %dma_start3A_154 = tpu.memref_slice %arg5[%dma_start3A_153] : memref<5200xi32, #tpu.memory_space<vmem>> -> memref<400xi32, #tpu.memory_space<vmem>>
      %dma_start3A_155 = arith.constant 0 : i32
      %dma_start3A_156 = arith.constant 0 : i32
      %dma_start3A_157 = tpu.memref_slice %arg3[%dma_start3A_155, %dma_start3A_156] : memref<2052x64xf32, #tpu.memory_space<hbm>> -> memref<2052x64xf32, #tpu.memory_space<hbm>>
      tpu.enqueue_indirect_dma source(%dma_start3A_157 : memref<2052x64xf32, #tpu.memory_space<hbm>>) target(%arg6 : memref<400x64xf32, #tpu.memory_space<vmem>>) offsets(%dma_start3A_154 : memref<400xi32, #tpu.memory_space<vmem>>) semaphore(%arg8 : memref<!tpu.dma_semaphore, #tpu.memory_space<semaphore_mem>>)
      %dma_wait3A_158 = arith.constant 2800 : i32
      %dma_wait3A_159 = tpu.memref_slice %arg5[%dma_wait3A_158] : memref<5200xi32, #tpu.memory_space<vmem>> -> memref<400xi32, #tpu.memory_space<vmem>>
      %dma_wait3A_160 = arith.constant 0 : i32
      %dma_wait3A_161 = arith.constant 0 : i32
      %dma_wait3A_162 = tpu.memref_slice %arg3[%dma_wait3A_160, %dma_wait3A_161] : memref<2052x64xf32, #tpu.memory_space<hbm>> -> memref<2052x64xf32, #tpu.memory_space<hbm>>
      tpu.wait_indirect_dma semaphore(%arg9 : memref<!tpu.dma_semaphore, #tpu.memory_space<semaphore_mem>>) src(%dma_wait3A_162 : memref<2052x64xf32, #tpu.memory_space<hbm>>) dst(%arg7 : memref<400x64xf32, #tpu.memory_space<vmem>>)
      %add3A_163 = arith.constant 2800 : i32
      %add3A_164 = arith.addi %add3A, %add3A_163 : i32
      %dma_start3A_165 = arith.constant 0 : i32
      %dma_start3A_166 = tpu.memref_slice %arg4[%add3A_164, %dma_start3A_165] : memref<102400x64xf32, #tpu.memory_space<hbm>> -> memref<400x64xf32, #tpu.memory_space<hbm>>
      %dma_start3A_167 = arith.constant 0 : i32
      %dma_start3A_168 = tpu.memref_slice %arg4[%add3A_164, %dma_start3A_167] : memref<102400x64xf32, #tpu.memory_space<hbm>> -> memref<400x64xf32, #tpu.memory_space<hbm>>
      tpu.enqueue_dma source(%arg7 : memref<400x64xf32, #tpu.memory_space<vmem>>) target(%dma_start3A_168 : memref<400x64xf32, #tpu.memory_space<hbm>>) target_semaphore(%arg11 : memref<!tpu.dma_semaphore, #tpu.memory_space<semaphore_mem>>)
      %dma_wait3A_169 = arith.constant 0 : i32
      %dma_wait3A_170 = tpu.memref_slice %arg4[%add3A_164, %dma_wait3A_169] : memref<102400x64xf32, #tpu.memory_space<hbm>> -> memref<400x64xf32, #tpu.memory_space<hbm>>
      %dma_wait3A_171 = arith.constant 0 : i32
      %dma_wait3A_172 = tpu.memref_slice %arg4[%add3A_164, %dma_wait3A_171] : memref<102400x64xf32, #tpu.memory_space<hbm>> -> memref<400x64xf32, #tpu.memory_space<hbm>>
      tpu.wait_dma2 semaphore(%arg11 : memref<!tpu.dma_semaphore, #tpu.memory_space<semaphore_mem>>) src(%arg7 : memref<400x64xf32, #tpu.memory_space<vmem>>) dst(%dma_wait3A_172 : memref<400x64xf32, #tpu.memory_space<hbm>>)
      %dma_start3A_173 = arith.constant 3600 : i32
      %dma_start3A_174 = tpu.memref_slice %arg5[%dma_start3A_173] : memref<5200xi32, #tpu.memory_space<vmem>> -> memref<400xi32, #tpu.memory_space<vmem>>
      %dma_start3A_175 = arith.constant 0 : i32
      %dma_start3A_176 = arith.constant 0 : i32
      %dma_start3A_177 = tpu.memref_slice %arg3[%dma_start3A_175, %dma_start3A_176] : memref<2052x64xf32, #tpu.memory_space<hbm>> -> memref<2052x64xf32, #tpu.memory_space<hbm>>
      tpu.enqueue_indirect_dma source(%dma_start3A_177 : memref<2052x64xf32, #tpu.memory_space<hbm>>) target(%arg7 : memref<400x64xf32, #tpu.memory_space<vmem>>) offsets(%dma_start3A_174 : memref<400xi32, #tpu.memory_space<vmem>>) semaphore(%arg9 : memref<!tpu.dma_semaphore, #tpu.memory_space<semaphore_mem>>)
      %dma_wait3A_178 = arith.constant 3200 : i32
      %dma_wait3A_179 = tpu.memref_slice %arg5[%dma_wait3A_178] : memref<5200xi32, #tpu.memory_space<vmem>> -> memref<400xi32, #tpu.memory_space<vmem>>
      %dma_wait3A_180 = arith.constant 0 : i32
      %dma_wait3A_181 = arith.constant 0 : i32
      %dma_wait3A_182 = tpu.memref_slice %arg3[%dma_wait3A_180, %dma_wait3A_181] : memref<2052x64xf32, #tpu.memory_space<hbm>> -> memref<2052x64xf32, #tpu.memory_space<hbm>>
      tpu.wait_indirect_dma semaphore(%arg8 : memref<!tpu.dma_semaphore, #tpu.memory_space<semaphore_mem>>) src(%dma_wait3A_182 : memref<2052x64xf32, #tpu.memory_space<hbm>>) dst(%arg6 : memref<400x64xf32, #tpu.memory_space<vmem>>)
      %add3A_183 = arith.constant 3200 : i32
      %add3A_184 = arith.addi %add3A, %add3A_183 : i32
      %dma_start3A_185 = arith.constant 0 : i32
      %dma_start3A_186 = tpu.memref_slice %arg4[%add3A_184, %dma_start3A_185] : memref<102400x64xf32, #tpu.memory_space<hbm>> -> memref<400x64xf32, #tpu.memory_space<hbm>>
      %dma_start3A_187 = arith.constant 0 : i32
      %dma_start3A_188 = tpu.memref_slice %arg4[%add3A_184, %dma_start3A_187] : memref<102400x64xf32, #tpu.memory_space<hbm>> -> memref<400x64xf32, #tpu.memory_space<hbm>>
      tpu.enqueue_dma source(%arg6 : memref<400x64xf32, #tpu.memory_space<vmem>>) target(%dma_start3A_188 : memref<400x64xf32, #tpu.memory_space<hbm>>) target_semaphore(%arg10 : memref<!tpu.dma_semaphore, #tpu.memory_space<semaphore_mem>>)
      %dma_wait3A_189 = arith.constant 0 : i32
      %dma_wait3A_190 = tpu.memref_slice %arg4[%add3A_184, %dma_wait3A_189] : memref<102400x64xf32, #tpu.memory_space<hbm>> -> memref<400x64xf32, #tpu.memory_space<hbm>>
      %dma_wait3A_191 = arith.constant 0 : i32
      %dma_wait3A_192 = tpu.memref_slice %arg4[%add3A_184, %dma_wait3A_191] : memref<102400x64xf32, #tpu.memory_space<hbm>> -> memref<400x64xf32, #tpu.memory_space<hbm>>
      tpu.wait_dma2 semaphore(%arg10 : memref<!tpu.dma_semaphore, #tpu.memory_space<semaphore_mem>>) src(%arg6 : memref<400x64xf32, #tpu.memory_space<vmem>>) dst(%dma_wait3A_192 : memref<400x64xf32, #tpu.memory_space<hbm>>)
      %dma_start3A_193 = arith.constant 4000 : i32
      %dma_start3A_194 = tpu.memref_slice %arg5[%dma_start3A_193] : memref<5200xi32, #tpu.memory_space<vmem>> -> memref<400xi32, #tpu.memory_space<vmem>>
      %dma_start3A_195 = arith.constant 0 : i32
      %dma_start3A_196 = arith.constant 0 : i32
      %dma_start3A_197 = tpu.memref_slice %arg3[%dma_start3A_195, %dma_start3A_196] : memref<2052x64xf32, #tpu.memory_space<hbm>> -> memref<2052x64xf32, #tpu.memory_space<hbm>>
      tpu.enqueue_indirect_dma source(%dma_start3A_197 : memref<2052x64xf32, #tpu.memory_space<hbm>>) target(%arg6 : memref<400x64xf32, #tpu.memory_space<vmem>>) offsets(%dma_start3A_194 : memref<400xi32, #tpu.memory_space<vmem>>) semaphore(%arg8 : memref<!tpu.dma_semaphore, #tpu.memory_space<semaphore_mem>>)
      %dma_wait3A_198 = arith.constant 3600 : i32
      %dma_wait3A_199 = tpu.memref_slice %arg5[%dma_wait3A_198] : memref<5200xi32, #tpu.memory_space<vmem>> -> memref<400xi32, #tpu.memory_space<vmem>>
      %dma_wait3A_200 = arith.constant 0 : i32
      %dma_wait3A_201 = arith.constant 0 : i32
      %dma_wait3A_202 = tpu.memref_slice %arg3[%dma_wait3A_200, %dma_wait3A_201] : memref<2052x64xf32, #tpu.memory_space<hbm>> -> memref<2052x64xf32, #tpu.memory_space<hbm>>
      tpu.wait_indirect_dma semaphore(%arg9 : memref<!tpu.dma_semaphore, #tpu.memory_space<semaphore_mem>>) src(%dma_wait3A_202 : memref<2052x64xf32, #tpu.memory_space<hbm>>) dst(%arg7 : memref<400x64xf32, #tpu.memory_space<vmem>>)
      %add3A_203 = arith.constant 3600 : i32
      %add3A_204 = arith.addi %add3A, %add3A_203 : i32
      %dma_start3A_205 = arith.constant 0 : i32
      %dma_start3A_206 = tpu.memref_slice %arg4[%add3A_204, %dma_start3A_205] : memref<102400x64xf32, #tpu.memory_space<hbm>> -> memref<400x64xf32, #tpu.memory_space<hbm>>
      %dma_start3A_207 = arith.constant 0 : i32
      %dma_start3A_208 = tpu.memref_slice %arg4[%add3A_204, %dma_start3A_207] : memref<102400x64xf32, #tpu.memory_space<hbm>> -> memref<400x64xf32, #tpu.memory_space<hbm>>
      tpu.enqueue_dma source(%arg7 : memref<400x64xf32, #tpu.memory_space<vmem>>) target(%dma_start3A_208 : memref<400x64xf32, #tpu.memory_space<hbm>>) target_semaphore(%arg11 : memref<!tpu.dma_semaphore, #tpu.memory_space<semaphore_mem>>)
      %dma_wait3A_209 = arith.constant 0 : i32
      %dma_wait3A_210 = tpu.memref_slice %arg4[%add3A_204, %dma_wait3A_209] : memref<102400x64xf32, #tpu.memory_space<hbm>> -> memref<400x64xf32, #tpu.memory_space<hbm>>
      %dma_wait3A_211 = arith.constant 0 : i32
      %dma_wait3A_212 = tpu.memref_slice %arg4[%add3A_204, %dma_wait3A_211] : memref<102400x64xf32, #tpu.memory_space<hbm>> -> memref<400x64xf32, #tpu.memory_space<hbm>>
      tpu.wait_dma2 semaphore(%arg11 : memref<!tpu.dma_semaphore, #tpu.memory_space<semaphore_mem>>) src(%arg7 : memref<400x64xf32, #tpu.memory_space<vmem>>) dst(%dma_wait3A_212 : memref<400x64xf32, #tpu.memory_space<hbm>>)
      %dma_start3A_213 = arith.constant 4400 : i32
      %dma_start3A_214 = tpu.memref_slice %arg5[%dma_start3A_213] : memref<5200xi32, #tpu.memory_space<vmem>> -> memref<400xi32, #tpu.memory_space<vmem>>
      %dma_start3A_215 = arith.constant 0 : i32
      %dma_start3A_216 = arith.constant 0 : i32
      %dma_start3A_217 = tpu.memref_slice %arg3[%dma_start3A_215, %dma_start3A_216] : memref<2052x64xf32, #tpu.memory_space<hbm>> -> memref<2052x64xf32, #tpu.memory_space<hbm>>
      tpu.enqueue_indirect_dma source(%dma_start3A_217 : memref<2052x64xf32, #tpu.memory_space<hbm>>) target(%arg7 : memref<400x64xf32, #tpu.memory_space<vmem>>) offsets(%dma_start3A_214 : memref<400xi32, #tpu.memory_space<vmem>>) semaphore(%arg9 : memref<!tpu.dma_semaphore, #tpu.memory_space<semaphore_mem>>)
      %dma_wait3A_218 = arith.constant 4000 : i32
      %dma_wait3A_219 = tpu.memref_slice %arg5[%dma_wait3A_218] : memref<5200xi32, #tpu.memory_space<vmem>> -> memref<400xi32, #tpu.memory_space<vmem>>
      %dma_wait3A_220 = arith.constant 0 : i32
      %dma_wait3A_221 = arith.constant 0 : i32
      %dma_wait3A_222 = tpu.memref_slice %arg3[%dma_wait3A_220, %dma_wait3A_221] : memref<2052x64xf32, #tpu.memory_space<hbm>> -> memref<2052x64xf32, #tpu.memory_space<hbm>>
      tpu.wait_indirect_dma semaphore(%arg8 : memref<!tpu.dma_semaphore, #tpu.memory_space<semaphore_mem>>) src(%dma_wait3A_222 : memref<2052x64xf32, #tpu.memory_space<hbm>>) dst(%arg6 : memref<400x64xf32, #tpu.memory_space<vmem>>)
      %add3A_223 = arith.constant 4000 : i32
      %add3A_224 = arith.addi %add3A, %add3A_223 : i32
      %dma_start3A_225 = arith.constant 0 : i32
      %dma_start3A_226 = tpu.memref_slice %arg4[%add3A_224, %dma_start3A_225] : memref<102400x64xf32, #tpu.memory_space<hbm>> -> memref<400x64xf32, #tpu.memory_space<hbm>>
      %dma_start3A_227 = arith.constant 0 : i32
      %dma_start3A_228 = tpu.memref_slice %arg4[%add3A_224, %dma_start3A_227] : memref<102400x64xf32, #tpu.memory_space<hbm>> -> memref<400x64xf32, #tpu.memory_space<hbm>>
      tpu.enqueue_dma source(%arg6 : memref<400x64xf32, #tpu.memory_space<vmem>>) target(%dma_start3A_228 : memref<400x64xf32, #tpu.memory_space<hbm>>) target_semaphore(%arg10 : memref<!tpu.dma_semaphore, #tpu.memory_space<semaphore_mem>>)
      %dma_wait3A_229 = arith.constant 0 : i32
      %dma_wait3A_230 = tpu.memref_slice %arg4[%add3A_224, %dma_wait3A_229] : memref<102400x64xf32, #tpu.memory_space<hbm>> -> memref<400x64xf32, #tpu.memory_space<hbm>>
      %dma_wait3A_231 = arith.constant 0 : i32
      %dma_wait3A_232 = tpu.memref_slice %arg4[%add3A_224, %dma_wait3A_231] : memref<102400x64xf32, #tpu.memory_space<hbm>> -> memref<400x64xf32, #tpu.memory_space<hbm>>
      tpu.wait_dma2 semaphore(%arg10 : memref<!tpu.dma_semaphore, #tpu.memory_space<semaphore_mem>>) src(%arg6 : memref<400x64xf32, #tpu.memory_space<vmem>>) dst(%dma_wait3A_232 : memref<400x64xf32, #tpu.memory_space<hbm>>)
      %dma_start3A_233 = arith.constant 4800 : i32
      %dma_start3A_234 = tpu.memref_slice %arg5[%dma_start3A_233] : memref<5200xi32, #tpu.memory_space<vmem>> -> memref<400xi32, #tpu.memory_space<vmem>>
      %dma_start3A_235 = arith.constant 0 : i32
      %dma_start3A_236 = arith.constant 0 : i32
      %dma_start3A_237 = tpu.memref_slice %arg3[%dma_start3A_235, %dma_start3A_236] : memref<2052x64xf32, #tpu.memory_space<hbm>> -> memref<2052x64xf32, #tpu.memory_space<hbm>>
      tpu.enqueue_indirect_dma source(%dma_start3A_237 : memref<2052x64xf32, #tpu.memory_space<hbm>>) target(%arg6 : memref<400x64xf32, #tpu.memory_space<vmem>>) offsets(%dma_start3A_234 : memref<400xi32, #tpu.memory_space<vmem>>) semaphore(%arg8 : memref<!tpu.dma_semaphore, #tpu.memory_space<semaphore_mem>>)
      %dma_wait3A_238 = arith.constant 4400 : i32
      %dma_wait3A_239 = tpu.memref_slice %arg5[%dma_wait3A_238] : memref<5200xi32, #tpu.memory_space<vmem>> -> memref<400xi32, #tpu.memory_space<vmem>>
      %dma_wait3A_240 = arith.constant 0 : i32
      %dma_wait3A_241 = arith.constant 0 : i32
      %dma_wait3A_242 = tpu.memref_slice %arg3[%dma_wait3A_240, %dma_wait3A_241] : memref<2052x64xf32, #tpu.memory_space<hbm>> -> memref<2052x64xf32, #tpu.memory_space<hbm>>
      tpu.wait_indirect_dma semaphore(%arg9 : memref<!tpu.dma_semaphore, #tpu.memory_space<semaphore_mem>>) src(%dma_wait3A_242 : memref<2052x64xf32, #tpu.memory_space<hbm>>) dst(%arg7 : memref<400x64xf32, #tpu.memory_space<vmem>>)
      %add3A_243 = arith.constant 4400 : i32
      %add3A_244 = arith.addi %add3A, %add3A_243 : i32
      %dma_start3A_245 = arith.constant 0 : i32
      %dma_start3A_246 = tpu.memref_slice %arg4[%add3A_244, %dma_start3A_245] : memref<102400x64xf32, #tpu.memory_space<hbm>> -> memref<400x64xf32, #tpu.memory_space<hbm>>
      %dma_start3A_247 = arith.constant 0 : i32
      %dma_start3A_248 = tpu.memref_slice %arg4[%add3A_244, %dma_start3A_247] : memref<102400x64xf32, #tpu.memory_space<hbm>> -> memref<400x64xf32, #tpu.memory_space<hbm>>
      tpu.enqueue_dma source(%arg7 : memref<400x64xf32, #tpu.memory_space<vmem>>) target(%dma_start3A_248 : memref<400x64xf32, #tpu.memory_space<hbm>>) target_semaphore(%arg11 : memref<!tpu.dma_semaphore, #tpu.memory_space<semaphore_mem>>)
      %dma_wait3A_249 = arith.constant 4800 : i32
      %dma_wait3A_250 = tpu.memref_slice %arg5[%dma_wait3A_249] : memref<5200xi32, #tpu.memory_space<vmem>> -> memref<400xi32, #tpu.memory_space<vmem>>
      %dma_wait3A_251 = arith.constant 0 : i32
      %dma_wait3A_252 = arith.constant 0 : i32
      %dma_wait3A_253 = tpu.memref_slice %arg3[%dma_wait3A_251, %dma_wait3A_252] : memref<2052x64xf32, #tpu.memory_space<hbm>> -> memref<2052x64xf32, #tpu.memory_space<hbm>>
      tpu.wait_indirect_dma semaphore(%arg8 : memref<!tpu.dma_semaphore, #tpu.memory_space<semaphore_mem>>) src(%dma_wait3A_253 : memref<2052x64xf32, #tpu.memory_space<hbm>>) dst(%arg6 : memref<400x64xf32, #tpu.memory_space<vmem>>)
      %add3A_254 = arith.constant 4800 : i32
      %add3A_255 = arith.addi %add3A, %add3A_254 : i32
      %dma_start3A_256 = arith.constant 0 : i32
      %dma_start3A_257 = tpu.memref_slice %arg4[%add3A_255, %dma_start3A_256] : memref<102400x64xf32, #tpu.memory_space<hbm>> -> memref<400x64xf32, #tpu.memory_space<hbm>>
      %dma_start3A_258 = arith.constant 0 : i32
      %dma_start3A_259 = tpu.memref_slice %arg4[%add3A_255, %dma_start3A_258] : memref<102400x64xf32, #tpu.memory_space<hbm>> -> memref<400x64xf32, #tpu.memory_space<hbm>>
      tpu.enqueue_dma source(%arg6 : memref<400x64xf32, #tpu.memory_space<vmem>>) target(%dma_start3A_259 : memref<400x64xf32, #tpu.memory_space<hbm>>) target_semaphore(%arg10 : memref<!tpu.dma_semaphore, #tpu.memory_space<semaphore_mem>>)
      %dma_wait3A_260 = arith.constant 0 : i32
      %dma_wait3A_261 = tpu.memref_slice %arg4[%add3A_255, %dma_wait3A_260] : memref<102400x64xf32, #tpu.memory_space<hbm>> -> memref<400x64xf32, #tpu.memory_space<hbm>>
      %dma_wait3A_262 = arith.constant 0 : i32
      %dma_wait3A_263 = tpu.memref_slice %arg4[%add3A_255, %dma_wait3A_262] : memref<102400x64xf32, #tpu.memory_space<hbm>> -> memref<400x64xf32, #tpu.memory_space<hbm>>
      tpu.wait_dma2 semaphore(%arg10 : memref<!tpu.dma_semaphore, #tpu.memory_space<semaphore_mem>>) src(%arg6 : memref<400x64xf32, #tpu.memory_space<vmem>>) dst(%dma_wait3A_263 : memref<400x64xf32, #tpu.memory_space<hbm>>)
      %dma_wait3A_264 = arith.constant 0 : i32
      %dma_wait3A_265 = tpu.memref_slice %arg4[%add3A_244, %dma_wait3A_264] : memref<102400x64xf32, #tpu.memory_space<hbm>> -> memref<400x64xf32, #tpu.memory_space<hbm>>
      %dma_wait3A_266 = arith.constant 0 : i32
      %dma_wait3A_267 = tpu.memref_slice %arg4[%add3A_244, %dma_wait3A_266] : memref<102400x64xf32, #tpu.memory_space<hbm>> -> memref<400x64xf32, #tpu.memory_space<hbm>>
      tpu.wait_dma2 semaphore(%arg11 : memref<!tpu.dma_semaphore, #tpu.memory_space<semaphore_mem>>) src(%arg7 : memref<400x64xf32, #tpu.memory_space<vmem>>) dst(%dma_wait3A_267 : memref<400x64xf32, #tpu.memory_space<hbm>>)
    } else {
    }
    %eq3A_5 = arith.constant 1 : i32
    %eq3A_6 = arith.cmpi eq, %arg0, %eq3A_5 : i32
    %convert_element_type3A_7 = arith.extui %eq3A_6 : i1 to i32
    %cond3A_8 = arith.constant 0 : i32
    %cond3A_9 = arith.cmpi ne, %convert_element_type3A_7, %cond3A_8 : i32
    scf.if %cond3A_9 {
      "tpu.region"() ({
        %run_scoped3A = tpu.sem_alloc : memref<!tpu.dma_semaphore, #tpu.memory_space<semaphore_mem>>
        %dma_start3A_68 = arith.constant 0 : i32
        %dma_start3A_69 = tpu.memref_slice %arg5[%dma_start3A_68] : memref<5200xi32, #tpu.memory_space<vmem>> -> memref<1200xi32, #tpu.memory_space<vmem>>
        %dma_start3A_70 = tpu.memref_slice %arg2[%add3A] : memref<102400xi32, #tpu.memory_space<hbm>> -> memref<1200xi32, #tpu.memory_space<hbm>>
        %dma_start3A_71 = arith.constant 0 : i32
        %dma_start3A_72 = tpu.memref_slice %arg5[%dma_start3A_71] : memref<5200xi32, #tpu.memory_space<vmem>> -> memref<1200xi32, #tpu.memory_space<vmem>>
        %dma_start3A_73 = tpu.memref_slice %arg2[%add3A] : memref<102400xi32, #tpu.memory_space<hbm>> -> memref<1200xi32, #tpu.memory_space<hbm>>
        tpu.enqueue_dma source(%dma_start3A_73 : memref<1200xi32, #tpu.memory_space<hbm>>) target(%dma_start3A_72 : memref<1200xi32, #tpu.memory_space<vmem>>) target_semaphore(%run_scoped3A : memref<!tpu.dma_semaphore, #tpu.memory_space<semaphore_mem>>)
        %dma_wait3A_74 = arith.constant 0 : i32
        %dma_wait3A_75 = tpu.memref_slice %arg5[%dma_wait3A_74] : memref<5200xi32, #tpu.memory_space<vmem>> -> memref<1200xi32, #tpu.memory_space<vmem>>
        %dma_wait3A_76 = tpu.memref_slice %arg2[%add3A] : memref<102400xi32, #tpu.memory_space<hbm>> -> memref<1200xi32, #tpu.memory_space<hbm>>
        %dma_wait3A_77 = arith.constant 0 : i32
        %dma_wait3A_78 = tpu.memref_slice %arg5[%dma_wait3A_77] : memref<5200xi32, #tpu.memory_space<vmem>> -> memref<1200xi32, #tpu.memory_space<vmem>>
        %dma_wait3A_79 = tpu.memref_slice %arg2[%add3A] : memref<102400xi32, #tpu.memory_space<hbm>> -> memref<1200xi32, #tpu.memory_space<hbm>>
        tpu.wait_dma2 semaphore(%run_scoped3A : memref<!tpu.dma_semaphore, #tpu.memory_space<semaphore_mem>>) src(%dma_wait3A_79 : memref<1200xi32, #tpu.memory_space<hbm>>) dst(%dma_wait3A_78 : memref<1200xi32, #tpu.memory_space<vmem>>)
        tpu.yield
      }) : () -> ()
      %dma_start3A = arith.constant 0 : i32
      %dma_start3A_10 = tpu.memref_slice %arg5[%dma_start3A] : memref<5200xi32, #tpu.memory_space<vmem>> -> memref<400xi32, #tpu.memory_space<vmem>>
      %dma_start3A_11 = arith.constant 0 : i32
      %dma_start3A_12 = arith.constant 0 : i32
      %dma_start3A_13 = tpu.memref_slice %arg3[%dma_start3A_11, %dma_start3A_12] : memref<2052x64xf32, #tpu.memory_space<hbm>> -> memref<2052x64xf32, #tpu.memory_space<hbm>>
      tpu.enqueue_indirect_dma source(%dma_start3A_13 : memref<2052x64xf32, #tpu.memory_space<hbm>>) target(%arg6 : memref<400x64xf32, #tpu.memory_space<vmem>>) offsets(%dma_start3A_10 : memref<400xi32, #tpu.memory_space<vmem>>) semaphore(%arg8 : memref<!tpu.dma_semaphore, #tpu.memory_space<semaphore_mem>>)
      %dma_start3A_14 = arith.constant 400 : i32
      %dma_start3A_15 = tpu.memref_slice %arg5[%dma_start3A_14] : memref<5200xi32, #tpu.memory_space<vmem>> -> memref<400xi32, #tpu.memory_space<vmem>>
      %dma_start3A_16 = arith.constant 0 : i32
      %dma_start3A_17 = arith.constant 0 : i32
      %dma_start3A_18 = tpu.memref_slice %arg3[%dma_start3A_16, %dma_start3A_17] : memref<2052x64xf32, #tpu.memory_space<hbm>> -> memref<2052x64xf32, #tpu.memory_space<hbm>>
      tpu.enqueue_indirect_dma source(%dma_start3A_18 : memref<2052x64xf32, #tpu.memory_space<hbm>>) target(%arg7 : memref<400x64xf32, #tpu.memory_space<vmem>>) offsets(%dma_start3A_15 : memref<400xi32, #tpu.memory_space<vmem>>) semaphore(%arg9 : memref<!tpu.dma_semaphore, #tpu.memory_space<semaphore_mem>>)
      %dma_wait3A = arith.constant 0 : i32
      %dma_wait3A_19 = tpu.memref_slice %arg5[%dma_wait3A] : memref<5200xi32, #tpu.memory_space<vmem>> -> memref<400xi32, #tpu.memory_space<vmem>>
      %dma_wait3A_20 = arith.constant 0 : i32
      %dma_wait3A_21 = arith.constant 0 : i32
      %dma_wait3A_22 = tpu.memref_slice %arg3[%dma_wait3A_20, %dma_wait3A_21] : memref<2052x64xf32, #tpu.memory_space<hbm>> -> memref<2052x64xf32, #tpu.memory_space<hbm>>
      tpu.wait_indirect_dma semaphore(%arg8 : memref<!tpu.dma_semaphore, #tpu.memory_space<semaphore_mem>>) src(%dma_wait3A_22 : memref<2052x64xf32, #tpu.memory_space<hbm>>) dst(%arg6 : memref<400x64xf32, #tpu.memory_space<vmem>>)
      %add3A_23 = arith.constant 0 : i32
      %add3A_24 = arith.addi %add3A, %add3A_23 : i32
      %dma_start3A_25 = arith.constant 0 : i32
      %dma_start3A_26 = tpu.memref_slice %arg4[%add3A_24, %dma_start3A_25] : memref<102400x64xf32, #tpu.memory_space<hbm>> -> memref<400x64xf32, #tpu.memory_space<hbm>>
      %dma_start3A_27 = arith.constant 0 : i32
      %dma_start3A_28 = tpu.memref_slice %arg4[%add3A_24, %dma_start3A_27] : memref<102400x64xf32, #tpu.memory_space<hbm>> -> memref<400x64xf32, #tpu.memory_space<hbm>>
      tpu.enqueue_dma source(%arg6 : memref<400x64xf32, #tpu.memory_space<vmem>>) target(%dma_start3A_28 : memref<400x64xf32, #tpu.memory_space<hbm>>) target_semaphore(%arg10 : memref<!tpu.dma_semaphore, #tpu.memory_space<semaphore_mem>>)
      %dma_wait3A_29 = arith.constant 0 : i32
      %dma_wait3A_30 = tpu.memref_slice %arg4[%add3A_24, %dma_wait3A_29] : memref<102400x64xf32, #tpu.memory_space<hbm>> -> memref<400x64xf32, #tpu.memory_space<hbm>>
      %dma_wait3A_31 = arith.constant 0 : i32
      %dma_wait3A_32 = tpu.memref_slice %arg4[%add3A_24, %dma_wait3A_31] : memref<102400x64xf32, #tpu.memory_space<hbm>> -> memref<400x64xf32, #tpu.memory_space<hbm>>
      tpu.wait_dma2 semaphore(%arg10 : memref<!tpu.dma_semaphore, #tpu.memory_space<semaphore_mem>>) src(%arg6 : memref<400x64xf32, #tpu.memory_space<vmem>>) dst(%dma_wait3A_32 : memref<400x64xf32, #tpu.memory_space<hbm>>)
      %dma_start3A_33 = arith.constant 800 : i32
      %dma_start3A_34 = tpu.memref_slice %arg5[%dma_start3A_33] : memref<5200xi32, #tpu.memory_space<vmem>> -> memref<400xi32, #tpu.memory_space<vmem>>
      %dma_start3A_35 = arith.constant 0 : i32
      %dma_start3A_36 = arith.constant 0 : i32
      %dma_start3A_37 = tpu.memref_slice %arg3[%dma_start3A_35, %dma_start3A_36] : memref<2052x64xf32, #tpu.memory_space<hbm>> -> memref<2052x64xf32, #tpu.memory_space<hbm>>
      tpu.enqueue_indirect_dma source(%dma_start3A_37 : memref<2052x64xf32, #tpu.memory_space<hbm>>) target(%arg6 : memref<400x64xf32, #tpu.memory_space<vmem>>) offsets(%dma_start3A_34 : memref<400xi32, #tpu.memory_space<vmem>>) semaphore(%arg8 : memref<!tpu.dma_semaphore, #tpu.memory_space<semaphore_mem>>)
      %dma_wait3A_38 = arith.constant 400 : i32
      %dma_wait3A_39 = tpu.memref_slice %arg5[%dma_wait3A_38] : memref<5200xi32, #tpu.memory_space<vmem>> -> memref<400xi32, #tpu.memory_space<vmem>>
      %dma_wait3A_40 = arith.constant 0 : i32
      %dma_wait3A_41 = arith.constant 0 : i32
      %dma_wait3A_42 = tpu.memref_slice %arg3[%dma_wait3A_40, %dma_wait3A_41] : memref<2052x64xf32, #tpu.memory_space<hbm>> -> memref<2052x64xf32, #tpu.memory_space<hbm>>
      tpu.wait_indirect_dma semaphore(%arg9 : memref<!tpu.dma_semaphore, #tpu.memory_space<semaphore_mem>>) src(%dma_wait3A_42 : memref<2052x64xf32, #tpu.memory_space<hbm>>) dst(%arg7 : memref<400x64xf32, #tpu.memory_space<vmem>>)
      %add3A_43 = arith.constant 400 : i32
      %add3A_44 = arith.addi %add3A, %add3A_43 : i32
      %dma_start3A_45 = arith.constant 0 : i32
      %dma_start3A_46 = tpu.memref_slice %arg4[%add3A_44, %dma_start3A_45] : memref<102400x64xf32, #tpu.memory_space<hbm>> -> memref<400x64xf32, #tpu.memory_space<hbm>>
      %dma_start3A_47 = arith.constant 0 : i32
      %dma_start3A_48 = tpu.memref_slice %arg4[%add3A_44, %dma_start3A_47] : memref<102400x64xf32, #tpu.memory_space<hbm>> -> memref<400x64xf32, #tpu.memory_space<hbm>>
      tpu.enqueue_dma source(%arg7 : memref<400x64xf32, #tpu.memory_space<vmem>>) target(%dma_start3A_48 : memref<400x64xf32, #tpu.memory_space<hbm>>) target_semaphore(%arg11 : memref<!tpu.dma_semaphore, #tpu.memory_space<semaphore_mem>>)
      %dma_wait3A_49 = arith.constant 800 : i32
      %dma_wait3A_50 = tpu.memref_slice %arg5[%dma_wait3A_49] : memref<5200xi32, #tpu.memory_space<vmem>> -> memref<400xi32, #tpu.memory_space<vmem>>
      %dma_wait3A_51 = arith.constant 0 : i32
      %dma_wait3A_52 = arith.constant 0 : i32
      %dma_wait3A_53 = tpu.memref_slice %arg3[%dma_wait3A_51, %dma_wait3A_52] : memref<2052x64xf32, #tpu.memory_space<hbm>> -> memref<2052x64xf32, #tpu.memory_space<hbm>>
      tpu.wait_indirect_dma semaphore(%arg8 : memref<!tpu.dma_semaphore, #tpu.memory_space<semaphore_mem>>) src(%dma_wait3A_53 : memref<2052x64xf32, #tpu.memory_space<hbm>>) dst(%arg6 : memref<400x64xf32, #tpu.memory_space<vmem>>)
      %add3A_54 = arith.constant 800 : i32
      %add3A_55 = arith.addi %add3A, %add3A_54 : i32
      %dma_start3A_56 = arith.constant 0 : i32
      %dma_start3A_57 = tpu.memref_slice %arg4[%add3A_55, %dma_start3A_56] : memref<102400x64xf32, #tpu.memory_space<hbm>> -> memref<400x64xf32, #tpu.memory_space<hbm>>
      %dma_start3A_58 = arith.constant 0 : i32
      %dma_start3A_59 = tpu.memref_slice %arg4[%add3A_55, %dma_start3A_58] : memref<102400x64xf32, #tpu.memory_space<hbm>> -> memref<400x64xf32, #tpu.memory_space<hbm>>
      tpu.enqueue_dma source(%arg6 : memref<400x64xf32, #tpu.memory_space<vmem>>) target(%dma_start3A_59 : memref<400x64xf32, #tpu.memory_space<hbm>>) target_semaphore(%arg10 : memref<!tpu.dma_semaphore, #tpu.memory_space<semaphore_mem>>)
      %dma_wait3A_60 = arith.constant 0 : i32
      %dma_wait3A_61 = tpu.memref_slice %arg4[%add3A_55, %dma_wait3A_60] : memref<102400x64xf32, #tpu.memory_space<hbm>> -> memref<400x64xf32, #tpu.memory_space<hbm>>
      %dma_wait3A_62 = arith.constant 0 : i32
      %dma_wait3A_63 = tpu.memref_slice %arg4[%add3A_55, %dma_wait3A_62] : memref<102400x64xf32, #tpu.memory_space<hbm>> -> memref<400x64xf32, #tpu.memory_space<hbm>>
      tpu.wait_dma2 semaphore(%arg10 : memref<!tpu.dma_semaphore, #tpu.memory_space<semaphore_mem>>) src(%arg6 : memref<400x64xf32, #tpu.memory_space<vmem>>) dst(%dma_wait3A_63 : memref<400x64xf32, #tpu.memory_space<hbm>>)
      %dma_wait3A_64 = arith.constant 0 : i32
      %dma_wait3A_65 = tpu.memref_slice %arg4[%add3A_44, %dma_wait3A_64] : memref<102400x64xf32, #tpu.memory_space<hbm>> -> memref<400x64xf32, #tpu.memory_space<hbm>>
      %dma_wait3A_66 = arith.constant 0 : i32
      %dma_wait3A_67 = tpu.memref_slice %arg4[%add3A_44, %dma_wait3A_66] : memref<102400x64xf32, #tpu.memory_space<hbm>> -> memref<400x64xf32, #tpu.memory_space<hbm>>
      tpu.wait_dma2 semaphore(%arg11 : memref<!tpu.dma_semaphore, #tpu.memory_space<semaphore_mem>>) src(%arg7 : memref<400x64xf32, #tpu.memory_space<vmem>>) dst(%dma_wait3A_67 : memref<400x64xf32, #tpu.memory_space<hbm>>)
    } else {
    }
    return
  }
}

module attributes {stable_mosaic.version = 14 : i64} {
  func.func @body(%arg0: i32, %arg1: memref<2048x128xf32, #tpu.memory_space<vmem>>, %arg2: memref<2048x128xf32, #tpu.memory_space<vmem>>, %arg3: memref<1024x128xf32, #tpu.memory_space<vmem>>, %arg4: memref<321x2048xf32, #tpu.memory_space<vmem>>) attributes {dimension_semantics = [#tpu.dimension_semantics<arbitrary>], iteration_bounds = array<i64: 49>, scalar_prefetch = 0 : i64, scratch_operands = 0 : i64, tpu.core_type = #tpu.core_type<tc>, window_params = [{transform_indices = @transform_0, window_bounds = array<i64: 2048, 128>}, {transform_indices = @transform_1, window_bounds = array<i64: 2048, 128>}, {transform_indices = @transform_2, window_bounds = array<i64: 1024, 128>}, {transform_indices = @transform_3, window_bounds = array<i64: 321, 2048>}]} {
    %broadcast_in_dim3A = arith.constant 0.000000e+00 : f32
    %broadcast_in_dim3A_0 = vector.broadcast %broadcast_in_dim3A : f32 to vector<1x2048xf32>
    %get3A = arith.constant 0 : index
    %get3A_1 = arith.constant 0 : index
    %get3A_2 = vector.load %arg1[%get3A, %get3A_1] : memref<2048x128xf32, #tpu.memory_space<vmem>>, vector<2048x128xf32>
    %transpose3A = tpu.transpose %get3A_2, [1, 0] : vector<2048x128xf32> -> vector<128x2048xf32>
    %get3A_3 = arith.constant 0 : index
    %get3A_4 = arith.constant 0 : index
    %get3A_5 = vector.load %arg2[%get3A_3, %get3A_4] : memref<2048x128xf32, #tpu.memory_space<vmem>>, vector<2048x128xf32>
    %transpose3A_6 = tpu.transpose %get3A_5, [1, 0] : vector<2048x128xf32> -> vector<128x2048xf32>
    %get3A_7 = arith.constant 0 : index
    %get3A_8 = arith.constant 0 : index
    %get3A_9 = vector.load %arg3[%get3A_7, %get3A_8] : memref<1024x128xf32, #tpu.memory_space<vmem>>, vector<1024x128xf32>
    %transpose3A_10 = tpu.transpose %get3A_9, [1, 0] : vector<1024x128xf32> -> vector<128x1024xf32>
    %slice3A = vector.extract_strided_slice %transpose3A_10 {offsets = [0, 0], sizes = [64, 1024], strides = [1, 1]} : vector<128x1024xf32> to vector<64x1024xf32>
    %slice3A_11 = vector.extract_strided_slice %transpose3A_10 {offsets = [64, 0], sizes = [64, 1024], strides = [1, 1]} : vector<128x1024xf32> to vector<64x1024xf32>
    %iota3A = tpu.iota {dimensions = array<i32: 0>} : vector<1024x2048xi32>
    %iota3A_12 = tpu.iota {dimensions = array<i32: 1>} : vector<1024x2048xi32>
    %mul3A = arith.constant 2 : i32
    %mul3A_13 = vector.broadcast %mul3A : i32 to vector<1024x2048xi32>
    %mul3A_14 = arith.muli %mul3A_13, %iota3A : vector<1024x2048xi32>
    %eq3A = arith.cmpi eq, %iota3A_12, %mul3A_14 : vector<1024x2048xi32>
    %convert_element_type3A = arith.extui %eq3A : vector<1024x2048xi1> to vector<1024x2048xi32>
    %convert_element_type3A_15 = arith.sitofp %convert_element_type3A : vector<1024x2048xi32> to vector<1024x2048xf32>
    %mul3A_16 = arith.constant 2 : i32
    %mul3A_17 = vector.broadcast %mul3A_16 : i32 to vector<1024x2048xi32>
    %mul3A_18 = arith.muli %mul3A_17, %iota3A : vector<1024x2048xi32>
    %add3A = arith.constant 1 : i32
    %add3A_19 = vector.broadcast %add3A : i32 to vector<1024x2048xi32>
    %add3A_20 = arith.addi %mul3A_18, %add3A_19 : vector<1024x2048xi32>
    %eq3A_21 = arith.cmpi eq, %iota3A_12, %add3A_20 : vector<1024x2048xi32>
    %convert_element_type3A_22 = arith.extui %eq3A_21 : vector<1024x2048xi1> to vector<1024x2048xi32>
    %convert_element_type3A_23 = arith.sitofp %convert_element_type3A_22 : vector<1024x2048xi32> to vector<1024x2048xf32>
    %dot_general3A = arith.constant dense<0.000000e+00> : vector<64x2048xf32>
    %dot_general3A_24 = tpu.matmul %slice3A, %convert_element_type3A_15, %dot_general3A {dimension_numbers = #tpu.dot_dimension_numbers<[1], [0], [0], [1], [0, 0, 1, 1], [], []>, transpose_lhs_hint = false} : vector<64x1024xf32>, vector<1024x2048xf32>, vector<64x2048xf32> -> vector<64x2048xf32>
    %dot_general3A_25 = arith.constant dense<0.000000e+00> : vector<64x2048xf32>
    %dot_general3A_26 = tpu.matmul %slice3A_11, %convert_element_type3A_23, %dot_general3A_25 {dimension_numbers = #tpu.dot_dimension_numbers<[1], [0], [0], [1], [0, 0, 1, 1], [], []>, transpose_lhs_hint = false} : vector<64x1024xf32>, vector<1024x2048xf32>, vector<64x2048xf32> -> vector<64x2048xf32>
    %add3A_27 = arith.addf %dot_general3A_24, %dot_general3A_26 : vector<64x2048xf32>
    %concatenate3A = tpu.concatenate %broadcast_in_dim3A_0, %transpose3A, %transpose3A_6, %add3A_27 in 0 : vector<1x2048xf32>, vector<128x2048xf32>, vector<128x2048xf32>, vector<64x2048xf32> -> vector<321x2048xf32>
    %swap3A = arith.constant 0 : index
    %swap3A_28 = arith.constant 0 : index
    %swap3A_29 = vector.load %arg4[%swap3A, %swap3A_28] : memref<321x2048xf32, #tpu.memory_space<vmem>>, vector<321x2048xf32>
    tpu.vector_store %arg4[%swap3A, %swap3A_28], %concatenate3A {strides = array<i32>} : memref<321x2048xf32, #tpu.memory_space<vmem>>, vector<321x2048xf32>,
    return
  }
  func.func @transform_0(%arg0: i32) -> (i32, i32) {
    %c0_i32 = arith.constant 0 : i32
    %c0_i32_0 = arith.constant 0 : i32
    return %arg0, %c0_i32 : i32, i32
  }
  func.func @transform_1(%arg0: i32) -> (i32, i32) {
    %c0_i32 = arith.constant 0 : i32
    %c0_i32_0 = arith.constant 0 : i32
    return %arg0, %c0_i32 : i32, i32
  }
  func.func @transform_2(%arg0: i32) -> (i32, i32) {
    %c0_i32 = arith.constant 0 : i32
    %c0_i32_0 = arith.constant 0 : i32
    return %arg0, %c0_i32 : i32, i32
  }
  func.func @transform_3(%arg0: i32) -> (i32, i32) {
    %c0_i32 = arith.constant 0 : i32
    %c0_i32_0 = arith.constant 0 : i32
    return %c0_i32, %arg0 : i32, i32
  }
}

</mosaic_0001>

<sc_bundles>
// kernel: kernel.4.cloned.1.call-start
scs
__scs_entry_jumppad:
0x0: {  	(pc) =	sbr.rel $0x88, $3  }
0x1: {  	(tag) =	ssettag $0x0;
	lr =	simm.s32 $0x1  }
0x2: {  	[smem:$0x3F9D] =	sst lr;
	_ =	strace $0xD0000000  }
0x3: {  	_ = 	snop  }
0x4: {  	_ = 	snop  }
0x5: {  	_ = 	snop  }
0x6: {  	_ = 	snop  }
0x7: {  	_ = 	snop  }
__scs_overlays_trampoline_lowered:
0x8: {  	[smem:$0x3FAC] =	sst s0  }
0x9: {  	[smem:$0x3FAD] =	sst s1  }
0xa: {  	[smem:$0x3FAE] =	sst s2  }
0xb: {  	[smem:$0x3FAF] =	sst s3  }
0xc: {  	[smem:$0x3FB0] =	sst s4  }
0xd: {  	[smem:$0x3FB1] =	sst s5  }
0xe: {  	[smem:$0x3FB2] =	sst s6  }
0xf: {  	[smem:$0x3FB3] =	sst s7  }
0x10: {  	[smem:$0x3FB4] =	sst s8  }
0x11: {  	[smem:$0x3FB5] =	sst s9;
	s0 =	simm.s32 @!p0 $0x0  }
0x12: {  	s1 =	sld [smem:$0x3F9B];
	s0 =	simm.s32 @p0 $0x1  }
0x13: {  	[smem:$0x3FB6] =	sst s0;
	s0 =	simm.s32 @!p1 $0x0  }
0x14: {  	s2 =	sld [smem:$0x3F9A];
	s0 =	simm.s32 @p1 $0x1  }
0x15: {  	[smem:$0x3FB7] =	sst s0;
	s0 =	simm.s32 @!p2 $0x0  }
0x16: {  	s3 =	sld [smem:$0x3FDB];
	s0 =	simm.s32 @p2 $0x1  }
0x17: {  	s4 =	simm.s32 $0x1BF5;
	[smem:$0x3FB9] =	sst s0  }
0x18: {  	s0 =	sld [smem:$0x3F9C];
	_ =	swait.ge [sflag:s4], $0x0  }
0x19: {  	s7 =	sld [smem:$0x3F9D]  }
0x1a: {  	s8 =	sadd.s32 $0xFFFFE003, lr  }
0x1b: {  	s9 =	sadd.s32 $0xFFFFFEF7, lr;
	s5 =	simm.s32 $0xFFFFFFFF;
	p2 =	slt.u32 s8, $0xFFFFF086  }
0x1c: {  	p1 =	slt.u32 s9, $0xF7A;
	s5 =	simm.s32 @!p2 $0x0  }
0x1d: {  	s5 =	simm.s32 @p1 $0x1;
	p0 =	seq.s32 s7, s2  }
0x1e: {  	s7 =	smul.u32 @!p0 $0xF7A, s2;
	p2 =	seq.s32 @!p0 s5, $0x0  }
0x1f: {  	s9 =	smul.u32 $0xF7A, s1;
	s8 =	simm.s32 @!p0 $0x1BF5;
	p2 =	por !p2, p0  }
0x20: {  	[sflag:s8] =	ssyncset.s32 @!p0 $0xFFFFF086;
	s6 =	sadd.s32 @!p0 s3, s7;
	s7 =	simm.s32 @!p0 $0x108  }
0x21: {  	s3 =	sadd.s32 s3, s9;
	s6 =	sadd.s32 @!p0 $0x88, s6;
	s7 =	simm.s32 @p2 $0x1082  }
0x22: {  	[simem:s7], [sflag:s8] =	dma.local @!p0 [hbm:s6], $0xF7A  }
0x23: {  	s9 =	sor.u32 $0xD0000000, s2;
	s6 =	simm.s32 $0x108;
	_ =	swait.ge @!p0 [sflag:s8], $0x0  }
0x24: {  	s3 =	sadd.s32 $0x88, s3;
	s6 =	simm.s32 @!p1 $0x1082;
	[sflag:s4] =	ssyncset.s32 $0xFFFFF086  }
0x25: {  	[simem:s6], [sflag:s4] =	dma.local [hbm:s3], $0xF7A  }
0x26: {  	[smem:$0x3F9D] =	sst s1;
	(tag) =	ssettag s2;
	_ =	strace s9  }
0x27: {  	s1 =	sld [smem:$0x3FAD]  }
0x28: {  	s2 =	sld [smem:$0x3FAE]  }
0x29: {  	s4 =	sld [smem:$0x3FB0]  }
0x2a: {  	p0 =	seq.s32 s5, $0x0;
	s5 =	sld [smem:$0x3FB1]  }
0x2b: {  	s6 =	sld [smem:$0x3FB2]  }
0x2c: {  	s7 =	sld [smem:$0x3FB3]  }
0x2d: {  	s3 =	simm.s32 $0x108;
	s8 =	sld [smem:$0x3FB4]  }
0x2e: {  	s3 =	simm.s32 @!p0 $0x1082;
	s9 =	sld [smem:$0x3FB5]  }
0x2f: {  	lr =	sadd.s32 s0, s3;
	s0 =	sld [smem:$0x3FAC]  }
0x30: {  	s3 =	sld [smem:$0x3FAF]  }
0x31: {  	[smem:$0x3FB8] =	sst s10  }
0x32: {  	s10 =	sld [smem:$0x3FB6];
	_ =	sdelay $0x3  }
0x33: {  	p0 =	seq.s32 s10, $0x1;
	s10 =	sld [smem:$0x3FB8];
	_ =	sdelay $0x3  }
0x34: {  	[smem:$0x3FB8] =	sst s10  }
0x35: {  	s10 =	sld [smem:$0x3FB7];
	_ =	sdelay $0x3  }
0x36: {  	p1 =	seq.s32 s10, $0x1;
	s10 =	sld [smem:$0x3FB8];
	_ =	sdelay $0x3  }
0x37: {  	[smem:$0x3FB8] =	sst s10  }
0x38: {  	s10 =	sld [smem:$0x3FB9]  }
0x39: {  	_ = 	snop;
	(pc) =	sbr.ind lr, $3  }
0x3a: {  	_ = 	snop  }
0x3b: {  	_ = 	snop  }
0x3c: {  	p2 =	seq.s32 s10, $0x1;
	s10 =	sld [smem:$0x3FB8]  }
0x3d: {  	_ =	shalt  }
0x3e: {  	_ =	shalt  }
0x3f: {  	_ =	shalt  }
0x40: {  	_ =	shalt  }
0x41: {  	_ =	shalt  }
0x42: {  	_ =	shalt  }
0x43: {  	_ =	shalt  }
0x44: {  	_ =	shalt  }
0x45: {  	_ =	shalt  }
0x46: {  	_ =	shalt  }
0x47: {  	_ =	shalt  }
0x48: {  	_ =	shalt  }
0x49: {  	_ =	shalt  }
0x4a: {  	_ =	shalt  }
0x4b: {  	_ =	shalt  }
0x4c: {  	_ =	shalt  }
0x4d: {  	_ =	shalt  }
0x4e: {  	_ =	shalt  }
0x4f: {  	_ =	shalt  }
0x50: {  	_ =	shalt  }
0x51: {  	_ =	shalt  }
0x52: {  	_ =	shalt  }
0x53: {  	_ =	shalt  }
0x54: {  	_ =	shalt  }
0x55: {  	_ =	shalt  }
0x56: {  	_ =	shalt  }
0x57: {  	_ =	shalt  }
0x58: {  	_ =	shalt  }
0x59: {  	_ =	shalt  }
0x5a: {  	_ =	shalt  }
0x5b: {  	_ =	shalt  }
0x5c: {  	_ =	shalt  }
0x5d: {  	_ =	shalt  }
0x5e: {  	_ =	shalt  }
0x5f: {  	_ =	shalt  }
0x60: {  	_ =	shalt  }
0x61: {  	_ =	shalt  }
0x62: {  	_ =	shalt  }
0x63: {  	_ =	shalt  }
0x64: {  	_ =	shalt  }
0x65: {  	_ =	shalt  }
0x66: {  	_ =	shalt  }
0x67: {  	_ =	shalt  }
0x68: {  	_ =	shalt  }
0x69: {  	_ =	shalt  }
0x6a: {  	_ =	shalt  }
0x6b: {  	_ =	shalt  }
0x6c: {  	_ =	shalt  }
0x6d: {  	_ =	shalt  }
0x6e: {  	_ =	shalt  }
0x6f: {  	_ =	shalt  }
0x70: {  	_ =	shalt  }
0x71: {  	_ =	shalt  }
0x72: {  	_ =	shalt  }
0x73: {  	_ =	shalt  }
0x74: {  	_ =	shalt  }
0x75: {  	_ =	shalt  }
0x76: {  	_ =	shalt  }
0x77: {  	_ =	shalt  }
0x78: {  	_ =	shalt  }
0x79: {  	_ =	shalt  }
0x7a: {  	_ =	shalt  }
0x7b: {  	_ =	shalt  }
0x7c: {  	_ =	shalt  }
0x7d: {  	_ =	shalt  }
0x7e: {  	_ =	shalt  }
0x7f: {  	_ =	shalt  }
0x80: {  	_ =	shalt  }
0x81: {  	_ =	shalt  }
0x82: {  	_ =	shalt  }
0x83: {  	_ =	shalt  }
0x84: {  	_ =	shalt  }
0x85: {  	_ =	shalt  }
0x86: {  	_ =	shalt  }
0x87: {  	_ =	shalt  }
.Lfunc_end0:
.L_simem_size_0:
called_computation_lowered:
.L_overlay_start_0:
0x88: {  	s2 =	sld [smem:$0x3FD9]  }
0x89: {  	s3 =	sld [smem:$0x3FFE];
	_ =	sdelay $0x1  }
0x8a: {  	s1 =	srdreg.scid  }
0x8b: {  	s0 =	sand.u32 $0x1, s1  }
0x8c: {  	s17 =	sshll.u32 s0, $0xA;
	s2 =	sadd.s32 s3, s2  }
0x8d: {  	s2 =	sadd.s32 s2, s17  }
0x8e: {  	[smem:$0x3FC4] =	sst s2  }
0x8f: {  	_ = 	snop  }
0x90: {  	s2 =	sld [smem:$0x3FD0];
	(tm) =	ssettm $0x1  }
0x91: {  	s18 =	sld [smem:$0x3FFB];
	_ =	sdelay $0x3  }
0x92: {  	_ =	strace s18  }
0x93: {  	s3 =	sld [smem:$0x3FFC];
	_ =	sdelay $0x3  }
0x94: {  	_ =	strace s3  }
0x95: {  	s3 =	sld [smem:$0x3FFD];
	_ =	sdelay $0x3  }
0x96: {  	_ =	strace s3  }
0x97: {  	_ =	strace $0x8FFFFFFF  }
0x98: {  	s19 =	sld [smem:$0x3FDB];
	_ =	sdelay $0x1  }
0x99: {  	s4 =	simm.s32 $_scs_section_size  }
0x9a: {  	s5 =	simm.s32 $_size__tile_overlayer_lowered;
	s6 =	simm.s32 $_tile_overlayer_lowered  }
0x9b: {  	s22 =	simm.s32 $0x1BFF;
	s21 =	sshll.u32 s6, $0x1;
	s3 =	sadd.s32 s4, s19  }
0x9c: {  	s7 =	simm.s32 $0x0;
	s20 =	sshll.u32 s5, $0x1;
	s5 =	sadd.s32 s21, s3  }
0x9d: {  	[timem:s7], [sflag:s22] =	dma.local [hbm:s5], s20  }
0x9e: {  	_ =	swait.ge [sflag:s22], s20  }
0x9f: {  	s4 =	ssub.s32 $0x0, s20;
	[sflag:s22] =	ssyncset.done $0x0  }
0xa0: {  	[sflag:s22] =	ssyncadd.s32 s4;
	_ =	sdelay $0x1  }
0xa1: {  	s23 =	simm.s32 $0x1B8B  }
0xa2: {  	_ =	swait.ge [sflag:s23], $0x1  }
0xa3: {  	[sflag:s23] =	ssyncset.done $0x0  }
0xa4: {  	s25 =	simm.s32 $0x1B8E;
	s24 =	sld [smem:$0x3FFE];
	[sflag:s23] =	ssyncadd.s32 $0xFFFFFFFF  }
0xa5: {  	s26 =	simm.s32 $execute0_lowered;
	[smem:$0x3FD2] =	sst s25  }
0xa6: {  	s5 =	sshll.u32 s26, $0x1;
	_ =	strace $0x80000046;
	[dreg:$0x1] =	wrdreg $0xFFFFFFFF  }
0xa7: {  	s28 =	simm.s32 $_size_execute0_lowered;
	s3 =	sadd.s32 s3, s5;
	[dreg:$0x0] =	wrdreg $0x0  }
0xa8: {  	s5 =	sshll.u32 s28, $0x1;
	[dreg:$0x2] =	wrdreg s3  }
0xa9: {  	[dreg:$0x3] =	wrdreg s5  }
0xaa: {  	[dreg:$0x4] =	wrdreg $0xC0  }
0xab: {  	_ =	task [dreg:s7], $0x5FFFF  }
0xac: {  	[dreg:$0x1] =	wrdreg $0xFFFFFFFF  }
0xad: {  	[dreg:$0x0] =	wrdreg $0x60  }
0xae: {  	[dreg:$0x2] =	wrdreg s24  }
0xaf: {  	[dreg:$0x3] =	wrdreg s2  }
0xb0: {  	[dreg:$0x4] =	wrdreg $0x9  }
0xb1: {  	_ =	task.clear_ibuf [dreg:s7], $0x5FFFF;
	_ =	strace $0x90000046  }
0xb2: {  	s29 =	simm.s32 $0x9;
	_ =	strace $0x80000048  }
0xb3: {  	_ =	swait.ge [sflag:s29], $0x1  }
0xb4: {  	[sflag:s29] =	ssyncadd.s32 $0xFFFFFFFF  }
0xb5: {  	_ =	strace $0x90000048  }
0xb6: {  	_ =	sfence  }
0xb7: {  	s30 =	sld [smem:$0x0];
	_ =	sdelay $0x2  }
0xb8: {  	s31 =	sshll.u32 s1, $0xD;
	s1 =	sshrl.u32 s1, $0x2  }
0xb9: {  	s3 =	sand.u32 $0x4000, s31;
	s1 =	sadd.s32 s1, s30  }
0xba: {  	s0 =	sor.u32 s3, s0;
	s1 =	sshll.u32 s1, $0x11  }
0xbb: {  	s0 =	sor.u32 s1, s0  }
0xbc: {  	s0 =	sadd.s32 $0x8F2B, s0  }
0xbd: {  	[sflag:s0] =	ssyncadd.remote.s32 $0x1  }
0xbe: {  	_ =	sfence.sel $0xFFFF  }
0xbf: {  	[dreg:$0x0] =	wrdreg $0xFFFFFFFF;
	(pc) =	sbr.abs _section_cstart, $3  }
0xc0: {  	[dreg:$0x1] =	wrdreg $0xFFFFFFFF  }
0xc1: {  	_ =	task.clear_ibuf [dreg:s7], $0x2FFFF;
	_ =	strace $0x9FFFFFFF  }
0xc2: {  	(tm) =	ssettm $0x7FFFFFFF  }
0xc3: {  	_ =	shalt  }
tec
execute0_lowered:
.L_overlay_start_1:
0x0: {  	(tag) =	ssettag $0x1  }
0x1: {  	s0 =	rddreg [dreg:$0x0]  }
0x2: {  	s2 =	rddreg [dreg:$0x1]  }
0x3: {  	s1 =	srdreg.scid;
	s3 =	simm.s32 $0x0;
	s8 =	stileid.u32  }
0x4: {  	s28 =	simm.s32 $0x7850;
	s29 =	simm.s32 $0x1;
	s30 =	simm.s32 $0x3  }
0x5: {  	s31 =	simm.s32 $0x2;
	s1 =	sand.u32 $0x1, s1;
	s6 =	smul.u32 $0x1900, s8  }
0x6: {  	[smem:$0x7FF] =	sst s3;
	s16 =	smul.u32 $0x64000, s8;
	s17 =	sadd.s32 $0x400, s0  }
0x7: {  	s4 =	sadd.s32 $0x3600, s0;
	s19 =	smul.u32 $0xC800, s8;
	s5 =	ssub.s32 $0x2, s1  }
0x8: {  	_ =	strace $0x80000047;
	p0 =	seq.s32 s1, $0x1;
	s1 =	smul.u32 $0x1450, s1  }
0x9: {  	s7 =	sshrl.u32 s5, $0x1;
	s18 =	sshrl.u32 s6, $0x3;
	s20 =	sshrl.u32 s16, $0x3  }
0xa: {  	s0 =	ssub.s32 s5, s7;
	s5 =	sadd.s32 s17, s18;
	s21 =	sadd.s32 s4, s20  }
0xb: {  	s7 =	sadd.s32 s4, s19;
	s24 =	sadd.s32 s1, s6;
	s8 =	sadd.s32 $0x7D00, s20  }
0xc: {  	s6 =	sadd.s32 $0x44C00, s16;
	s1 =	sadd.s32 $0x4B000, s16;
	[dreg:$0x3] =	wrdreg s5  }
0xd: {  	[dreg:$0x4] =	wrdreg s7;
	s22 =	sadd.s32 $0xC80, s21;
	s23 =	sadd.s32 $0x1900, s21  }
0xe: {  	s9 =	sadd.s32 $0x2580, s21;
	s10 =	sadd.s32 $0x3200, s21;
	s11 =	sadd.s32 $0x3E80, s21  }
0xf: {  	s12 =	sadd.s32 $0x4B00, s21;
	s13 =	sadd.s32 $0x5780, s21;
	s14 =	sadd.s32 $0x6400, s21  }
.Ltmp0:
0x10: {  	s15 =	sadd.s32 $0x7080, s21;
	s25 =	sshrl.u32 s24, $0x3;
	(pc) =	sbr.rel .LBB2_1-.Ltmp0, $4  }
0x11: {  	s26 =	sshll.u32 s24, $0x6;
	s20 =	sshll.u32 s24, $0x3;
	[dreg:$0x5] =	wrdreg s22  }
0x12: {  	s24 =	simm.s32 $0x5;
	[dreg:$0x6] =	wrdreg s23;
	s19 =	sadd.s32 s17, s25  }
0x13: {  	s21 =	sadd.s32 $0x6400, s26;
	s22 =	sadd.s32 $0xC800, s26;
	s23 =	smax.u32 s0, $0x1  }
0x14: {  	s25 =	simm.s32 $0x1450;
	s26 =	simm.s32 $0x190;
	s0 =	simm.s32 $0x4  }
.LBB2_3:
0x15: {  	[tilespmem:s3], [sflag:$0x5] =	stream.linear.gather [hbm4b:s19+s3], $0x4B0, $0x38;
	[tilespmem:$0xDC50] =	vst v63  }
0x16: {  	s7 =	simm.s32 $0x190;
	_ =	swait.ge [sflag:s24], $0x4B0  }
0x17: {  	s5 =	simm.s32 $0x320;
	s16 =	smov.u32 s20;
	[sflag:s24] =	ssyncset.done $0x0  }
0x18: {  	s17 =	smov.u32 s21;
	s18 =	smov.u32 s22;
	[sflag:s24] =	ssyncadd.s32 $0xFFFFFB50  }
0x19: {  	[tilespmem:s25], [sflag:$0x1] =	stream.indirect.gather [hbm4b:s2+s7], $0x40, s3, s7, $0xb8;
	[tilespmem:$0xDC50] =	vst v63  }
.LBB2_4:
0x1a: {  	[tilespmem:s28], [sflag:$0x2] =	stream.indirect.gather [hbm4b:s2+s26], $0x40, s7, s26, $0xb8;
	[tilespmem:$0xDC50] =	vst v63  }
0x1b: {  	_ =	swait.ge [sflag:s29], $0x6400  }
0x1c: {  	[sflag:s29] =	ssyncset.done $0x0  }
0x1d: {  	s16 =	sadd.s32 s4, s16;
	[sflag:s29] =	ssyncadd.s32 $0xFFFF9C00  }
0x1e: {  	[hbm4b:s16+s3] =	stream.linear.scatter [tilespmem:s25], [sflag:$0x3], $0x6400, $0x38;
	[tilespmem:$0xDC50] =	vst v63  }
0x1f: {  	_ =	swait.ge [sflag:s30], $0x6400  }
0x20: {  	[sflag:s30] =	ssyncset.done $0x0  }
0x21: {  	[sflag:s30] =	ssyncadd.s32 $0xFFFF9C00  }
0x22: {  	[tilespmem:s25], [sflag:$0x1] =	stream.indirect.gather [hbm4b:s2+s26], $0x40, s5, s26, $0xb8;
	[tilespmem:$0xDC50] =	vst v63  }
0x23: {  	_ =	swait.ge [sflag:s31], $0x6400  }
0x24: {  	s17 =	sshrl.u32 s17, $0x3;
	[sflag:s31] =	ssyncset.done $0x0  }
0x25: {  	s5 =	sadd.s32 s4, s17;
	[sflag:s31] =	ssyncadd.s32 $0xFFFF9C00  }
0x26: {  	[hbm4b:s5+s3] =	stream.linear.scatter [tilespmem:s28], [sflag:$0x4], $0x6400, $0x38;
	[tilespmem:$0xDC50] =	vst v63  }
0x27: {  	_ =	swait.ge [sflag:s29], $0x6400  }
0x28: {  	s18 =	sshrl.u32 s18, $0x3;
	[sflag:s29] =	ssyncset.done $0x0  }
0x29: {  	s23 =	sadd.s32 $0xFFFFFFFF, s23;
	s5 =	sadd.s32 s4, s18;
	[sflag:s29] =	ssyncadd.s32 $0xFFFF9C00  }
0x2a: {  	[hbm4b:s5+s3] =	stream.linear.scatter [tilespmem:s25], [sflag:$0x3], $0x6400, $0x38;
	[tilespmem:$0xDC50] =	vst v63  }
0x2b: {  	p1 =	sne.s32 s23, $0x0;
	_ =	swait.ge [sflag:s30], $0x6400  }
.Ltmp1:
0x2c: {  	[sflag:s30] =	ssyncset.done $0x0;
	(pc) =	sbr.rel @!p1 .LBB2_5-.Ltmp1, $4  }
0x2d: {  	[sflag:s30] =	ssyncadd.s32 $0xFFFF9C00  }
0x2e: {  	_ =	swait.ge [sflag:s0], $0x6400  }
0x2f: {  	[sflag:s0] =	ssyncset.done $0x0  }
0x30: {  	[sflag:s0] =	ssyncadd.s32 $0xFFFF9C00  }
.LBB2_1:
.Ltmp2:
0x31: {  	(pc) =	sbr.rel @p0 .LBB2_3-.Ltmp2, $1  }
0x32: {  	_ =	sdelay $0x3  }
0x33: {  	s5 =	rddreg [dreg:$0x3]  }
0x34: {  	[tilespmem:s3], [sflag:$0x5] =	stream.linear.gather [hbm4b:s5+s3], $0x1450, $0x38;
	[tilespmem:$0xDC50] =	vst v63  }
0x35: {  	_ =	swait.ge [sflag:s24], $0x1450  }
0x36: {  	[sflag:s24] =	ssyncset.done $0x0  }
0x37: {  	[sflag:s24] =	ssyncadd.s32 $0xFFFFEBB0  }
0x38: {  	[tilespmem:s25], [sflag:$0x1] =	stream.indirect.gather [hbm4b:s2+s26], $0x40, s3, s26, $0xb8;
	[tilespmem:$0xDC50] =	vst v63  }
0x39: {  	_ = 	snop  }
0x3a: {  	[tilespmem:s28], [sflag:$0x2] =	stream.indirect.gather [hbm4b:s2+s26], $0x40, s26, s26, $0xb8;
	[tilespmem:$0xDC50] =	vst v63  }
0x3b: {  	_ =	swait.ge [sflag:s29], $0x6400  }
0x3c: {  	[sflag:s29] =	ssyncset.done $0x0  }
0x3d: {  	s7 =	rddreg [dreg:$0x4];
	[sflag:s29] =	ssyncadd.s32 $0xFFFF9C00  }
0x3e: {  	[hbm4b:s7+s3] =	stream.linear.scatter [tilespmem:s25], [sflag:$0x3], $0x6400, $0x38;
	[tilespmem:$0xDC50] =	vst v63  }
0x3f: {  	_ =	swait.ge [sflag:s30], $0x6400  }
0x40: {  	[sflag:s30] =	ssyncset.done $0x0  }
0x41: {  	s16 =	simm.s32 $0x320;
	[sflag:s30] =	ssyncadd.s32 $0xFFFF9C00  }
0x42: {  	[tilespmem:s25], [sflag:$0x1] =	stream.indirect.gather [hbm4b:s2+s26], $0x40, s16, s26, $0xb8;
	[tilespmem:$0xDC50] =	vst v63  }
0x43: {  	_ =	swait.ge [sflag:s31], $0x6400  }
0x44: {  	[sflag:s31] =	ssyncset.done $0x0  }
0x45: {  	s17 =	rddreg [dreg:$0x5];
	[sflag:s31] =	ssyncadd.s32 $0xFFFF9C00  }
0x46: {  	[hbm4b:s17+s3] =	stream.linear.scatter [tilespmem:s28], [sflag:$0x4], $0x6400, $0x38;
	[tilespmem:$0xDC50] =	vst v63  }
0x47: {  	_ =	swait.ge [sflag:s0], $0x6400  }
0x48: {  	[sflag:s0] =	ssyncset.done $0x0  }
0x49: {  	s18 =	simm.s32 $0x4B0;
	[sflag:s0] =	ssyncadd.s32 $0xFFFF9C00  }
0x4a: {  	[tilespmem:s28], [sflag:$0x2] =	stream.indirect.gather [hbm4b:s2+s26], $0x40, s18, s26, $0xb8;
	[tilespmem:$0xDC50] =	vst v63  }
0x4b: {  	_ =	swait.ge [sflag:s29], $0x6400  }
0x4c: {  	[sflag:s29] =	ssyncset.done $0x0  }
0x4d: {  	s7 =	rddreg [dreg:$0x6];
	[sflag:s29] =	ssyncadd.s32 $0xFFFF9C00  }
0x4e: {  	[hbm4b:s7+s3] =	stream.linear.scatter [tilespmem:s25], [sflag:$0x3], $0x6400, $0x38;
	[tilespmem:$0xDC50] =	vst v63  }
0x4f: {  	_ =	swait.ge [sflag:s30], $0x6400  }
0x50: {  	[sflag:s30] =	ssyncset.done $0x0  }
0x51: {  	s16 =	simm.s32 $0x640;
	[sflag:s30] =	ssyncadd.s32 $0xFFFF9C00  }
0x52: {  	[tilespmem:s25], [sflag:$0x1] =	stream.indirect.gather [hbm4b:s2+s26], $0x40, s16, s26, $0xb8;
	[tilespmem:$0xDC50] =	vst v63  }
0x53: {  	_ =	swait.ge [sflag:s31], $0x6400  }
0x54: {  	[sflag:s31] =	ssyncset.done $0x0  }
0x55: {  	[sflag:s31] =	ssyncadd.s32 $0xFFFF9C00  }
0x56: {  	[hbm4b:s9+s3] =	stream.linear.scatter [tilespmem:s28], [sflag:$0x4], $0x6400, $0x38;
	[tilespmem:$0xDC50] =	vst v63  }
0x57: {  	_ =	swait.ge [sflag:s0], $0x6400  }
0x58: {  	[sflag:s0] =	ssyncset.done $0x0  }
0x59: {  	s17 =	simm.s32 $0x7D0;
	[sflag:s0] =	ssyncadd.s32 $0xFFFF9C00  }
0x5a: {  	[tilespmem:s28], [sflag:$0x2] =	stream.indirect.gather [hbm4b:s2+s26], $0x40, s17, s26, $0xb8;
	[tilespmem:$0xDC50] =	vst v63  }
0x5b: {  	_ =	swait.ge [sflag:s29], $0x6400  }
0x5c: {  	[sflag:s29] =	ssyncset.done $0x0  }
0x5d: {  	[sflag:s29] =	ssyncadd.s32 $0xFFFF9C00  }
0x5e: {  	[hbm4b:s10+s3] =	stream.linear.scatter [tilespmem:s25], [sflag:$0x3], $0x6400, $0x38;
	[tilespmem:$0xDC50] =	vst v63  }
0x5f: {  	_ =	swait.ge [sflag:s30], $0x6400  }
0x60: {  	[sflag:s30] =	ssyncset.done $0x0  }
0x61: {  	s18 =	simm.s32 $0x960;
	[sflag:s30] =	ssyncadd.s32 $0xFFFF9C00  }
0x62: {  	[tilespmem:s25], [sflag:$0x1] =	stream.indirect.gather [hbm4b:s2+s26], $0x40, s18, s26, $0xb8;
	[tilespmem:$0xDC50] =	vst v63  }
0x63: {  	_ =	swait.ge [sflag:s31], $0x6400  }
0x64: {  	[sflag:s31] =	ssyncset.done $0x0  }
0x65: {  	[sflag:s31] =	ssyncadd.s32 $0xFFFF9C00  }
0x66: {  	[hbm4b:s11+s3] =	stream.linear.scatter [tilespmem:s28], [sflag:$0x4], $0x6400, $0x38;
	[tilespmem:$0xDC50] =	vst v63  }
0x67: {  	_ =	swait.ge [sflag:s0], $0x6400  }
0x68: {  	[sflag:s0] =	ssyncset.done $0x0  }
0x69: {  	s7 =	simm.s32 $0xAF0;
	[sflag:s0] =	ssyncadd.s32 $0xFFFF9C00  }
0x6a: {  	[tilespmem:s28], [sflag:$0x2] =	stream.indirect.gather [hbm4b:s2+s26], $0x40, s7, s26, $0xb8;
	[tilespmem:$0xDC50] =	vst v63  }
0x6b: {  	_ =	swait.ge [sflag:s29], $0x6400  }
0x6c: {  	[sflag:s29] =	ssyncset.done $0x0  }
0x6d: {  	[sflag:s29] =	ssyncadd.s32 $0xFFFF9C00  }
0x6e: {  	[hbm4b:s12+s3] =	stream.linear.scatter [tilespmem:s25], [sflag:$0x3], $0x6400, $0x38;
	[tilespmem:$0xDC50] =	vst v63  }
0x6f: {  	_ =	swait.ge [sflag:s30], $0x6400  }
0x70: {  	[sflag:s30] =	ssyncset.done $0x0  }
0x71: {  	s16 =	simm.s32 $0xC80;
	[sflag:s30] =	ssyncadd.s32 $0xFFFF9C00  }
0x72: {  	[tilespmem:s25], [sflag:$0x1] =	stream.indirect.gather [hbm4b:s2+s26], $0x40, s16, s26, $0xb8;
	[tilespmem:$0xDC50] =	vst v63  }
0x73: {  	_ =	swait.ge [sflag:s31], $0x6400  }
0x74: {  	[sflag:s31] =	ssyncset.done $0x0  }
0x75: {  	[sflag:s31] =	ssyncadd.s32 $0xFFFF9C00  }
0x76: {  	[hbm4b:s13+s3] =	stream.linear.scatter [tilespmem:s28], [sflag:$0x4], $0x6400, $0x38;
	[tilespmem:$0xDC50] =	vst v63  }
0x77: {  	_ =	swait.ge [sflag:s0], $0x6400  }
0x78: {  	[sflag:s0] =	ssyncset.done $0x0  }
0x79: {  	s17 =	simm.s32 $0xE10;
	[sflag:s0] =	ssyncadd.s32 $0xFFFF9C00  }
0x7a: {  	[tilespmem:s28], [sflag:$0x2] =	stream.indirect.gather [hbm4b:s2+s26], $0x40, s17, s26, $0xb8;
	[tilespmem:$0xDC50] =	vst v63  }
0x7b: {  	_ =	swait.ge [sflag:s29], $0x6400  }
0x7c: {  	[sflag:s29] =	ssyncset.done $0x0  }
0x7d: {  	[sflag:s29] =	ssyncadd.s32 $0xFFFF9C00  }
0x7e: {  	[hbm4b:s14+s3] =	stream.linear.scatter [tilespmem:s25], [sflag:$0x3], $0x6400, $0x38;
	[tilespmem:$0xDC50] =	vst v63  }
0x7f: {  	_ =	swait.ge [sflag:s30], $0x6400  }
0x80: {  	[sflag:s30] =	ssyncset.done $0x0  }
0x81: {  	s18 =	simm.s32 $0xFA0;
	[sflag:s30] =	ssyncadd.s32 $0xFFFF9C00  }
0x82: {  	[tilespmem:s25], [sflag:$0x1] =	stream.indirect.gather [hbm4b:s2+s26], $0x40, s18, s26, $0xb8;
	[tilespmem:$0xDC50] =	vst v63  }
0x83: {  	_ =	swait.ge [sflag:s31], $0x6400  }
0x84: {  	[sflag:s31] =	ssyncset.done $0x0  }
.Ltmp3:
0x85: {  	[sflag:s31] =	ssyncadd.s32 $0xFFFF9C00;
	(pc) =	sbr.rel .LBB2_4-.Ltmp3, $4  }
0x86: {  	[hbm4b:s15+s3] =	stream.linear.scatter [tilespmem:s28], [sflag:$0x4], $0x6400, $0x38;
	[tilespmem:$0xDC50] =	vst v63  }
0x87: {  	s5 =	simm.s32 $0x12C0;
	_ =	swait.ge [sflag:s0], $0x6400  }
0x88: {  	s7 =	simm.s32 $0x1130;
	s16 =	smov.u32 s8;
	[sflag:s0] =	ssyncset.done $0x0  }
0x89: {  	s17 =	smov.u32 s6;
	s18 =	smov.u32 s1;
	[sflag:s0] =	ssyncadd.s32 $0xFFFF9C00  }
.LBB2_5:
0x8a: {  	_ =	sfence.sel $0x180000  }
0x8b: {  	[bflag:$0x0] =	sbarrier.arrive $0xFFFF  }
0x8c: {  	_ =	strace $0x90000047  }
0x8d: {  	s0 =	stileid.u32;
	[bflag:$0x2] =	sbarrier.arrive $0xFFFF  }
0x8e: {  	p0 =	sne.s32 s0, $0x0;
	s0 =	rddreg [dreg:$0x2]  }
0x8f: {  	s0 =	sadd.s32 @!p0 $0x100000, s0  }
0x90: {  	[sflag:s0] =	ssyncadd.tile.s32 @!p0 $0x1;
	_ =	shalt  }
.Lfunc_end2:
_tile_overlayer_lowered:
.L_overlay_start_2:
0x91: {  	(tag) =	ssettag $0x2  }
0x92: {  	s0 =	rddreg [dreg:$0x0];
	s2 =	stileid.u32  }
0x93: {  	s1 =	rddreg [dreg:$0x1];
	p0 =	sne.s32 s2, $0x0  }
0x94: {  	s3 =	rddreg [dreg:$0x2];
	[bflag:$0x3] =	sbarrier.arrive $0xFFFF;
	s2 =	simm.s32 @!p0 $0x1C05  }
0x95: {  	[timem:s3], [sflag:s2] =	dma.local @!p0 [hbm:s0], s1  }
0x96: {  	s0 =	simm.s32 @!p0 $0x5  }
0x97: {  	_ =	swait.ge @!p0 [sflag:s0], s1  }
0x98: {  	s1 =	ssub.s32 @!p0 $0x0, s1;
	[sflag:s0] =	ssyncset.done @!p0 $0x0  }
0x99: {  	[sflag:s0] =	ssyncadd.s32 @!p0 s1  }
0x9a: {  	[bflag:$0x3] =	sbarrier.arrive $0xFFFF  }
0x9b: {  	_ =	shalt  }

</sc_bundles>
